<compile_context>
chip_gen: v7x
topology: tpu7x:2x2x1
jax: 0.10.2.dev20260603
libtpu: 0.0.44.dev20260713+nightly
codegen_flags: <defaults>
</compile_context>

<pallas_src>
import functools

import jax
import jax.numpy as jnp
from jax import lax
from jax.experimental import pallas as pl
from jax.experimental.pallas import tpu as pltpu
from jax.experimental.pallas import tpu_sc as plsc

N_TOK = 8192
K = 8192
D = 32
TOK_TILE = 1024
K_CHUNK = 2048
COMMIT = 0.25

_NC = 2
_NS = 16
_NW = _NC * _NS
_BPW = N_TOK // _NW
_CH = 128
_NCH = _BPW // _CH
_DP = 128


def _argmin_body(x_ref, e_ref, x2_ref, e2_ref, idx_ref):
    x = x_ref[...]
    x2 = x2_ref[...]

    def block_winner(c):
        ech = e_ref[pl.ds(c * K_CHUNK, K_CHUNK), :]
        e2 = e2_ref[0, pl.ds(c * K_CHUNK, K_CHUNK)]
        mm = jax.lax.dot_general(
            x, ech, (((1,), (1,)), ((), ())),
            preferred_element_type=jnp.float32)
        d = (x2 + e2[None, :]) - 2.0 * mm
        lmin = jnp.min(d, axis=1, keepdims=True)
        iota = jax.lax.broadcasted_iota(jnp.int32, d.shape, 1) + c * K_CHUNK
        lidx = jnp.min(jnp.where(d == lmin, iota, jnp.int32(2 ** 30)),
                       axis=1, keepdims=True)
        return lmin, lidx

    v0, w0 = block_winner(0)
    v1, w1 = block_winner(1)
    v2, w2 = block_winner(2)
    v3, w3 = block_winner(3)
    t1 = v1 < v0
    sv1 = jnp.where(t1, v1, v0)
    sw1 = jnp.where(t1, w1, w0)
    t2 = v3 < v2
    sv2 = jnp.where(t2, v3, v2)
    sw2 = jnp.where(t2, w3, w2)
    sv1_bf = sv1.astype(jnp.bfloat16).astype(jnp.float32)
    take2 = sv2 < sv1_bf
    idx_ref[0] = jnp.where(take2, sw2, sw1)


def _argmin_indices(flat, emb):
    x2 = jnp.sum(flat ** 2, axis=1, keepdims=True)
    e2 = jnp.sum(emb ** 2, axis=1).reshape(1, K)
    n_tiles = N_TOK // TOK_TILE
    idx3 = pl.pallas_call(
        _argmin_body,
        grid=(n_tiles,),
        in_specs=[
            pl.BlockSpec((TOK_TILE, D), lambda i: (i, 0)),
            pl.BlockSpec((K, D), lambda i: (0, 0)),
            pl.BlockSpec((TOK_TILE, 1), lambda i: (i, 0)),
            pl.BlockSpec((1, K), lambda i: (0, 0)),
        ],
        out_specs=pl.BlockSpec((1, TOK_TILE, 1), lambda i: (i, 0, 0)),
        out_shape=jax.ShapeDtypeStruct((n_tiles, TOK_TILE, 1), jnp.int32),
    )(flat, emb, x2, e2)
    return idx3.reshape(N_TOK // _CH, _CH)


def _sc_body(e_hbm, idx_hbm, q_hbm, cnt_hbm, idx_v, rows_v, ones_v, zeros_v,
             cnt_sh, sem):
    cid = lax.axis_index("c")
    sid = lax.axis_index("s")
    wid = sid * _NC + cid
    base = wid * _BPW

    pltpu.sync_copy(idx_hbm.at[pl.ds(wid * _NCH, _NCH)], idx_v)

    for j in range(_NCH):
        pltpu.async_copy(e_hbm.at[idx_v.at[j]],
                         rows_v.at[pl.ds(j * _CH, _CH)], sem).wait()
    pltpu.sync_copy(rows_v, q_hbm.at[pl.ds(base, _BPW)])

    for i in range(_CH // 16):
        ones_v[pl.ds(i * 16, 16)] = jnp.full((16,), 1.0, jnp.float32)
    for i in range(512 // 16):
        zeros_v[pl.ds(i * 16, 16)] = jnp.zeros((16,), jnp.float32)
    pltpu.sync_copy(zeros_v, cnt_sh.at[pl.ds(sid * 512, 512)])
    plsc.subcore_barrier()
    for j in range(_NCH):
        pltpu.sync_copy(ones_v, cnt_sh.at[idx_v.at[j]], add=True)
    plsc.subcore_barrier()

    @pl.when(sid == 0)
    def _flush():
        pltpu.sync_copy(cnt_sh, cnt_hbm.at[cid])


@functools.partial(
    pl.kernel,
    out_type=[jax.ShapeDtypeStruct((N_TOK, _DP), jnp.float32),
              jax.ShapeDtypeStruct((_NC, K), jnp.float32)],
    mesh=plsc.VectorSubcoreMesh(core_axis_name="c", subcore_axis_name="s",
                                num_cores=_NC, num_subcores=_NS),
    scratch_types=[
        pltpu.VMEM((_NCH, _CH), jnp.int32),
        pltpu.VMEM((_BPW, _DP), jnp.float32),
        pltpu.VMEM((_CH,), jnp.float32),
        pltpu.VMEM((512,), jnp.float32),
        pltpu.VMEM_SHARED((K,), jnp.float32),
        pltpu.SemaphoreType.DMA,
    ],
)
def _sc_gather_hist(e_hbm, idx_hbm, q_hbm, cnt_hbm, idx_v, rows_v, ones_v,
                    zeros_v, cnt_sh, sem):
    _sc_body(e_hbm, idx_hbm, q_hbm, cnt_hbm, idx_v, rows_v, ones_v, zeros_v,
             cnt_sh, sem)


def _fin_body(x_ref, q_ref, c_ref, qst_ref, loss_ref, perp_ref):
    x = x_ref[...]
    q = q_ref[:, 0:D]
    diff = q - x
    qst_ref[...] = x + diff
    m = jnp.sum(diff * diff) * (1.0 / (N_TOK * D))
    loss_ref[...] = jnp.reshape(m + COMMIT * m, (1, 1))
    cnt = c_ref[0:1, :] + c_ref[1:2, :]
    p = cnt * (1.0 / N_TOK)
    ent = p * jnp.log(p + 1e-10)
    perp_ref[...] = jnp.reshape(jnp.exp(-jnp.sum(ent)), (1, 1))


def _finalize(flat, q, counts):
    return pl.pallas_call(
        _fin_body,
        out_shape=[
            jax.ShapeDtypeStruct((N_TOK, D), jnp.float32),
            jax.ShapeDtypeStruct((1, 1), jnp.float32),
            jax.ShapeDtypeStruct((1, 1), jnp.float32),
        ],
    )(flat, q, counts)


def kernel(inputs, embeddings_weight):
    input_shape = inputs.shape
    flat = inputs.reshape(-1, D)
    idx = _argmin_indices(flat, embeddings_weight)
    e_pad = jnp.pad(embeddings_weight, ((0, 0), (0, _DP - D)))
    quantized, counts = _sc_gather_hist(e_pad, idx)
    qst, loss, perp = _finalize(flat, quantized, counts)
    return (qst.reshape(input_shape), loss.reshape(()), perp.reshape(()))

# --- scband reference (transcript-rebuilt; emitter-appended) ---
"""Pipeline reference for scband-vector-quantizer-15977278341694 (READ-ONLY COPY).

The authoritative reference and input builder live on the scoring server;
editing this copy changes nothing except your own understanding.
"""

import jax, jax.numpy as jnp
import numpy as np

NUM_EMBEDDINGS = 8192
EMBEDDING_DIM = 32
COMMITMENT_COST = 0.25


def setup_inputs(seed: int = 0) -> dict:
    key = jax.random.key(seed)
    k1, k2 = jax.random.split(key)
    inputs = jax.random.normal(k1, (8, 1024, EMBEDDING_DIM), dtype=jnp.float32)
    embeddings_weight = jax.random.uniform(
        k2, (NUM_EMBEDDINGS, EMBEDDING_DIM), dtype=jnp.float32,
        minval=-1.0 / NUM_EMBEDDINGS, maxval=1.0 / NUM_EMBEDDINGS)
    return {"inputs": inputs, "embeddings_weight": embeddings_weight}


def reference(inputs, embeddings_weight):
    input_shape = inputs.shape
    flat_input = inputs.reshape(-1, EMBEDDING_DIM)
    distances = (jnp.sum(flat_input ** 2, axis=1, keepdims=True)
                 + jnp.sum(embeddings_weight ** 2, axis=1)
                 - 2.0 * jnp.matmul(flat_input, embeddings_weight.T))
    encoding_indices = jnp.argmin(distances, axis=1)
    n = flat_input.shape[0]
    encodings = jnp.zeros((n, NUM_EMBEDDINGS), dtype=jnp.float32)
    encodings = encodings.at[jnp.arange(n), encoding_indices].set(1.0)
    quantized = jnp.matmul(encodings, embeddings_weight).reshape(input_shape)
    e_latent_loss = jnp.mean((jax.lax.stop_gradient(quantized) - inputs) ** 2)
    q_latent_loss = jnp.mean((quantized - jax.lax.stop_gradient(inputs)) ** 2)
    loss = q_latent_loss + COMMITMENT_COST * e_latent_loss
    quantized_st = inputs + jax.lax.stop_gradient(quantized - inputs)
    avg_probs = jnp.mean(encodings, axis=0)
    perplexity = jnp.exp(-jnp.sum(avg_probs * jnp.log(avg_probs + 1e-10)))
    return (quantized_st, loss, perplexity)

if __name__ == "__main__":
    import jax
    _d = setup_inputs()
    print(jax.jit(kernel)(*tuple(_d.values())))

</pallas_src>

<mosaic_0001>
#map = affine_map<(d0, d1) -> (0, 0)>
module attributes {stable_mosaic.version = 14 : i64} {
  func.func @_sc_gather_hist(%arg0: i32, %arg1: i32, %arg2: memref<8192x128xf32, #tpu.memory_space<hbm>>, %arg3: memref<64x128xi32, #tpu.memory_space<hbm>>, %arg4: memref<8192x128xf32, #tpu.memory_space<hbm>>, %arg5: memref<2x8192xf32, #tpu.memory_space<hbm>>, %arg6: memref<2x128xi32, #tpu.memory_space<vmem>>, %arg7: memref<256x128xf32, #tpu.memory_space<vmem>>, %arg8: memref<128xf32, #tpu.memory_space<vmem>>, %arg9: memref<512xf32, #tpu.memory_space<vmem>>, %arg10: memref<8192xf32, #tpu.memory_space<vmem_shared>>, %arg11: memref<!tpu.dma_semaphore, #tpu.memory_space<semaphore_mem>>) attributes {dimension_semantics = [#tpu.dimension_semantics<core_parallel>, #tpu.dimension_semantics<subcore_parallel>], iteration_bounds = array<i64: 2, 16>, scalar_prefetch = 0 : i64, scratch_operands = 6 : i64, tpu.core_type = #tpu.core_type<sc_vector_subcore>, window_params = [{transform_indices = #map}, {transform_indices = #map}, {transform_indices = #map}, {transform_indices = #map}]} {
    %mul3A = arith.constant 2 : i32
    %mul3A_0 = arith.muli %arg1, %mul3A : i32
    %add3A = arith.addi %mul3A_0, %arg0 : i32
    %mul3A_1 = arith.constant 256 : i32
    %mul3A_2 = arith.muli %add3A, %mul3A_1 : i32
    %mul3A_3 = arith.constant 2 : i32
    %mul3A_4 = arith.muli %add3A, %mul3A_3 : i32
    "tpu.region"() ({
      %run_scoped3A_287 = tpu.sem_alloc : memref<!tpu.dma_semaphore, #tpu.memory_space<semaphore_mem>>
      %dma_start3A_288 = arith.constant 0 : i32
      %dma_start3A_289 = tpu.memref_slice %arg3[%mul3A_4, %dma_start3A_288] : memref<64x128xi32, #tpu.memory_space<hbm>> -> memref<2x128xi32, #tpu.memory_space<hbm>>
      %dma_start3A_290 = arith.constant 0 : i32
      %dma_start3A_291 = tpu.memref_slice %arg3[%mul3A_4, %dma_start3A_290] : memref<64x128xi32, #tpu.memory_space<hbm>> -> memref<2x128xi32, #tpu.memory_space<hbm>>
      tpu.enqueue_dma source(%dma_start3A_291 : memref<2x128xi32, #tpu.memory_space<hbm>>) target(%arg6 : memref<2x128xi32, #tpu.memory_space<vmem>>) target_semaphore(%run_scoped3A_287 : memref<!tpu.dma_semaphore, #tpu.memory_space<semaphore_mem>>)
      %dma_wait3A_292 = arith.constant 0 : i32
      %dma_wait3A_293 = tpu.memref_slice %arg3[%mul3A_4, %dma_wait3A_292] : memref<64x128xi32, #tpu.memory_space<hbm>> -> memref<2x128xi32, #tpu.memory_space<hbm>>
      %dma_wait3A_294 = arith.constant 0 : i32
      %dma_wait3A_295 = tpu.memref_slice %arg3[%mul3A_4, %dma_wait3A_294] : memref<64x128xi32, #tpu.memory_space<hbm>> -> memref<2x128xi32, #tpu.memory_space<hbm>>
      tpu.wait_dma2 semaphore(%run_scoped3A_287 : memref<!tpu.dma_semaphore, #tpu.memory_space<semaphore_mem>>) src(%dma_wait3A_295 : memref<2x128xi32, #tpu.memory_space<hbm>>) dst(%arg6 : memref<2x128xi32, #tpu.memory_space<vmem>>)
      tpu.yield
    }) : () -> ()
    %dma_start3A = arith.constant 0 : i32
    %dma_start3A_5 = arith.constant 0 : i32
    %dma_start3A_6 = arith.constant 0 : i32
    %dma_start3A_7 = tpu.memref_slice %arg7[%dma_start3A_5, %dma_start3A_6] : memref<256x128xf32, #tpu.memory_space<vmem>> -> memref<128x128xf32, #tpu.memory_space<vmem>>
    %dma_start3A_8 = arith.constant 0 : i32
    %dma_start3A_9 = tpu.memref_slice %arg6[%dma_start3A, %dma_start3A_8] : memref<2x128xi32, #tpu.memory_space<vmem>> -> memref<1x128xi32, #tpu.memory_space<vmem>>
    %dma_start3A_10 = tpu.memref_squeeze %dma_start3A_9 : memref<1x128xi32, #tpu.memory_space<vmem>> -> memref<128xi32, #tpu.memory_space<vmem>>
    %dma_start3A_11 = arith.constant 0 : i32
    %dma_start3A_12 = arith.constant 0 : i32
    %dma_start3A_13 = tpu.memref_slice %arg2[%dma_start3A_11, %dma_start3A_12] : memref<8192x128xf32, #tpu.memory_space<hbm>> -> memref<8192x128xf32, #tpu.memory_space<hbm>>
    tpu.enqueue_indirect_dma source(%dma_start3A_13 : memref<8192x128xf32, #tpu.memory_space<hbm>>) target(%dma_start3A_7 : memref<128x128xf32, #tpu.memory_space<vmem>>) offsets(%dma_start3A_10 : memref<128xi32, #tpu.memory_space<vmem>>) semaphore(%arg11 : memref<!tpu.dma_semaphore, #tpu.memory_space<semaphore_mem>>)
    %dma_wait3A = arith.constant 0 : i32
    %dma_wait3A_14 = arith.constant 0 : i32
    %dma_wait3A_15 = arith.constant 0 : i32
    %dma_wait3A_16 = tpu.memref_slice %arg7[%dma_wait3A_14, %dma_wait3A_15] : memref<256x128xf32, #tpu.memory_space<vmem>> -> memref<128x128xf32, #tpu.memory_space<vmem>>
    %dma_wait3A_17 = arith.constant 0 : i32
    %dma_wait3A_18 = tpu.memref_slice %arg6[%dma_wait3A, %dma_wait3A_17] : memref<2x128xi32, #tpu.memory_space<vmem>> -> memref<1x128xi32, #tpu.memory_space<vmem>>
    %dma_wait3A_19 = tpu.memref_squeeze %dma_wait3A_18 : memref<1x128xi32, #tpu.memory_space<vmem>> -> memref<128xi32, #tpu.memory_space<vmem>>
    %dma_wait3A_20 = arith.constant 0 : i32
    %dma_wait3A_21 = arith.constant 0 : i32
    %dma_wait3A_22 = tpu.memref_slice %arg2[%dma_wait3A_20, %dma_wait3A_21] : memref<8192x128xf32, #tpu.memory_space<hbm>> -> memref<8192x128xf32, #tpu.memory_space<hbm>>
    tpu.wait_indirect_dma semaphore(%arg11 : memref<!tpu.dma_semaphore, #tpu.memory_space<semaphore_mem>>) src(%dma_wait3A_22 : memref<8192x128xf32, #tpu.memory_space<hbm>>) dst(%dma_wait3A_16 : memref<128x128xf32, #tpu.memory_space<vmem>>)
    %dma_start3A_23 = arith.constant 1 : i32
    %dma_start3A_24 = arith.constant 128 : i32
    %dma_start3A_25 = arith.constant 0 : i32
    %dma_start3A_26 = tpu.memref_slice %arg7[%dma_start3A_24, %dma_start3A_25] : memref<256x128xf32, #tpu.memory_space<vmem>> -> memref<128x128xf32, #tpu.memory_space<vmem>>
    %dma_start3A_27 = arith.constant 0 : i32
    %dma_start3A_28 = tpu.memref_slice %arg6[%dma_start3A_23, %dma_start3A_27] : memref<2x128xi32, #tpu.memory_space<vmem>> -> memref<1x128xi32, #tpu.memory_space<vmem>>
    %dma_start3A_29 = tpu.memref_squeeze %dma_start3A_28 : memref<1x128xi32, #tpu.memory_space<vmem>> -> memref<128xi32, #tpu.memory_space<vmem>>
    %dma_start3A_30 = arith.constant 0 : i32
    %dma_start3A_31 = arith.constant 0 : i32
    %dma_start3A_32 = tpu.memref_slice %arg2[%dma_start3A_30, %dma_start3A_31] : memref<8192x128xf32, #tpu.memory_space<hbm>> -> memref<8192x128xf32, #tpu.memory_space<hbm>>
    tpu.enqueue_indirect_dma source(%dma_start3A_32 : memref<8192x128xf32, #tpu.memory_space<hbm>>) target(%dma_start3A_26 : memref<128x128xf32, #tpu.memory_space<vmem>>) offsets(%dma_start3A_29 : memref<128xi32, #tpu.memory_space<vmem>>) semaphore(%arg11 : memref<!tpu.dma_semaphore, #tpu.memory_space<semaphore_mem>>)
    %dma_wait3A_33 = arith.constant 1 : i32
    %dma_wait3A_34 = arith.constant 128 : i32
    %dma_wait3A_35 = arith.constant 0 : i32
    %dma_wait3A_36 = tpu.memref_slice %arg7[%dma_wait3A_34, %dma_wait3A_35] : memref<256x128xf32, #tpu.memory_space<vmem>> -> memref<128x128xf32, #tpu.memory_space<vmem>>
    %dma_wait3A_37 = arith.constant 0 : i32
    %dma_wait3A_38 = tpu.memref_slice %arg6[%dma_wait3A_33, %dma_wait3A_37] : memref<2x128xi32, #tpu.memory_space<vmem>> -> memref<1x128xi32, #tpu.memory_space<vmem>>
    %dma_wait3A_39 = tpu.memref_squeeze %dma_wait3A_38 : memref<1x128xi32, #tpu.memory_space<vmem>> -> memref<128xi32, #tpu.memory_space<vmem>>
    %dma_wait3A_40 = arith.constant 0 : i32
    %dma_wait3A_41 = arith.constant 0 : i32
    %dma_wait3A_42 = tpu.memref_slice %arg2[%dma_wait3A_40, %dma_wait3A_41] : memref<8192x128xf32, #tpu.memory_space<hbm>> -> memref<8192x128xf32, #tpu.memory_space<hbm>>
    tpu.wait_indirect_dma semaphore(%arg11 : memref<!tpu.dma_semaphore, #tpu.memory_space<semaphore_mem>>) src(%dma_wait3A_42 : memref<8192x128xf32, #tpu.memory_space<hbm>>) dst(%dma_wait3A_36 : memref<128x128xf32, #tpu.memory_space<vmem>>)
    "tpu.region"() ({
      %run_scoped3A_287 = tpu.sem_alloc : memref<!tpu.dma_semaphore, #tpu.memory_space<semaphore_mem>>
      %dma_start3A_288 = arith.constant 0 : i32
      %dma_start3A_289 = tpu.memref_slice %arg4[%mul3A_2, %dma_start3A_288] : memref<8192x128xf32, #tpu.memory_space<hbm>> -> memref<256x128xf32, #tpu.memory_space<hbm>>
      %dma_start3A_290 = arith.constant 0 : i32
      %dma_start3A_291 = tpu.memref_slice %arg4[%mul3A_2, %dma_start3A_290] : memref<8192x128xf32, #tpu.memory_space<hbm>> -> memref<256x128xf32, #tpu.memory_space<hbm>>
      tpu.enqueue_dma source(%arg7 : memref<256x128xf32, #tpu.memory_space<vmem>>) target(%dma_start3A_291 : memref<256x128xf32, #tpu.memory_space<hbm>>) target_semaphore(%run_scoped3A_287 : memref<!tpu.dma_semaphore, #tpu.memory_space<semaphore_mem>>)
      %dma_wait3A_292 = arith.constant 0 : i32
      %dma_wait3A_293 = tpu.memref_slice %arg4[%mul3A_2, %dma_wait3A_292] : memref<8192x128xf32, #tpu.memory_space<hbm>> -> memref<256x128xf32, #tpu.memory_space<hbm>>
      %dma_wait3A_294 = arith.constant 0 : i32
      %dma_wait3A_295 = tpu.memref_slice %arg4[%mul3A_2, %dma_wait3A_294] : memref<8192x128xf32, #tpu.memory_space<hbm>> -> memref<256x128xf32, #tpu.memory_space<hbm>>
      tpu.wait_dma2 semaphore(%run_scoped3A_287 : memref<!tpu.dma_semaphore, #tpu.memory_space<semaphore_mem>>) src(%arg7 : memref<256x128xf32, #tpu.memory_space<vmem>>) dst(%dma_wait3A_295 : memref<256x128xf32, #tpu.memory_space<hbm>>)
      tpu.yield
    }) : () -> ()
    %broadcast_in_dim3A = arith.constant 1.000000e+00 : f32
    %broadcast_in_dim3A_43 = vector.broadcast %broadcast_in_dim3A : f32 to vector<16xf32>
    %swap3A = arith.constant 0 : index
    %swap3A_44 = tpu.vector_load %arg8[%swap3A] {strides = array<i32>} : memref<128xf32, #tpu.memory_space<vmem>>, vector<16xf32>,
    %swap3A_45 = vector.shape_cast %swap3A_44 : vector<16xf32> to vector<16xf32>
    %swap3A_46 = vector.shape_cast %broadcast_in_dim3A_43 : vector<16xf32> to vector<16xf32>
    tpu.vector_store %arg8[%swap3A], %swap3A_46 {strides = array<i32>} : memref<128xf32, #tpu.memory_space<vmem>>, vector<16xf32>,
    %broadcast_in_dim3A_47 = arith.constant 1.000000e+00 : f32
    %broadcast_in_dim3A_48 = vector.broadcast %broadcast_in_dim3A_47 : f32 to vector<16xf32>
    %swap3A_49 = arith.constant 16 : index
    %swap3A_50 = tpu.vector_load %arg8[%swap3A_49] {strides = array<i32>} : memref<128xf32, #tpu.memory_space<vmem>>, vector<16xf32>,
    %swap3A_51 = vector.shape_cast %swap3A_50 : vector<16xf32> to vector<16xf32>
    %swap3A_52 = vector.shape_cast %broadcast_in_dim3A_48 : vector<16xf32> to vector<16xf32>
    tpu.vector_store %arg8[%swap3A_49], %swap3A_52 {strides = array<i32>} : memref<128xf32, #tpu.memory_space<vmem>>, vector<16xf32>,
    %broadcast_in_dim3A_53 = arith.constant 1.000000e+00 : f32
    %broadcast_in_dim3A_54 = vector.broadcast %broadcast_in_dim3A_53 : f32 to vector<16xf32>
    %swap3A_55 = arith.constant 32 : index
    %swap3A_56 = tpu.vector_load %arg8[%swap3A_55] {strides = array<i32>} : memref<128xf32, #tpu.memory_space<vmem>>, vector<16xf32>,
    %swap3A_57 = vector.shape_cast %swap3A_56 : vector<16xf32> to vector<16xf32>
    %swap3A_58 = vector.shape_cast %broadcast_in_dim3A_54 : vector<16xf32> to vector<16xf32>
    tpu.vector_store %arg8[%swap3A_55], %swap3A_58 {strides = array<i32>} : memref<128xf32, #tpu.memory_space<vmem>>, vector<16xf32>,
    %broadcast_in_dim3A_59 = arith.constant 1.000000e+00 : f32
    %broadcast_in_dim3A_60 = vector.broadcast %broadcast_in_dim3A_59 : f32 to vector<16xf32>
    %swap3A_61 = arith.constant 48 : index
    %swap3A_62 = tpu.vector_load %arg8[%swap3A_61] {strides = array<i32>} : memref<128xf32, #tpu.memory_space<vmem>>, vector<16xf32>,
    %swap3A_63 = vector.shape_cast %swap3A_62 : vector<16xf32> to vector<16xf32>
    %swap3A_64 = vector.shape_cast %broadcast_in_dim3A_60 : vector<16xf32> to vector<16xf32>
    tpu.vector_store %arg8[%swap3A_61], %swap3A_64 {strides = array<i32>} : memref<128xf32, #tpu.memory_space<vmem>>, vector<16xf32>,
    %broadcast_in_dim3A_65 = arith.constant 1.000000e+00 : f32
    %broadcast_in_dim3A_66 = vector.broadcast %broadcast_in_dim3A_65 : f32 to vector<16xf32>
    %swap3A_67 = arith.constant 64 : index
    %swap3A_68 = tpu.vector_load %arg8[%swap3A_67] {strides = array<i32>} : memref<128xf32, #tpu.memory_space<vmem>>, vector<16xf32>,
    %swap3A_69 = vector.shape_cast %swap3A_68 : vector<16xf32> to vector<16xf32>
    %swap3A_70 = vector.shape_cast %broadcast_in_dim3A_66 : vector<16xf32> to vector<16xf32>
    tpu.vector_store %arg8[%swap3A_67], %swap3A_70 {strides = array<i32>} : memref<128xf32, #tpu.memory_space<vmem>>, vector<16xf32>,
    %broadcast_in_dim3A_71 = arith.constant 1.000000e+00 : f32
    %broadcast_in_dim3A_72 = vector.broadcast %broadcast_in_dim3A_71 : f32 to vector<16xf32>
    %swap3A_73 = arith.constant 80 : index
    %swap3A_74 = tpu.vector_load %arg8[%swap3A_73] {strides = array<i32>} : memref<128xf32, #tpu.memory_space<vmem>>, vector<16xf32>,
    %swap3A_75 = vector.shape_cast %swap3A_74 : vector<16xf32> to vector<16xf32>
    %swap3A_76 = vector.shape_cast %broadcast_in_dim3A_72 : vector<16xf32> to vector<16xf32>
    tpu.vector_store %arg8[%swap3A_73], %swap3A_76 {strides = array<i32>} : memref<128xf32, #tpu.memory_space<vmem>>, vector<16xf32>,
    %broadcast_in_dim3A_77 = arith.constant 1.000000e+00 : f32
    %broadcast_in_dim3A_78 = vector.broadcast %broadcast_in_dim3A_77 : f32 to vector<16xf32>
    %swap3A_79 = arith.constant 96 : index
    %swap3A_80 = tpu.vector_load %arg8[%swap3A_79] {strides = array<i32>} : memref<128xf32, #tpu.memory_space<vmem>>, vector<16xf32>,
    %swap3A_81 = vector.shape_cast %swap3A_80 : vector<16xf32> to vector<16xf32>
    %swap3A_82 = vector.shape_cast %broadcast_in_dim3A_78 : vector<16xf32> to vector<16xf32>
    tpu.vector_store %arg8[%swap3A_79], %swap3A_82 {strides = array<i32>} : memref<128xf32, #tpu.memory_space<vmem>>, vector<16xf32>,
    %broadcast_in_dim3A_83 = arith.constant 1.000000e+00 : f32
    %broadcast_in_dim3A_84 = vector.broadcast %broadcast_in_dim3A_83 : f32 to vector<16xf32>
    %swap3A_85 = arith.constant 112 : index
    %swap3A_86 = tpu.vector_load %arg8[%swap3A_85] {strides = array<i32>} : memref<128xf32, #tpu.memory_space<vmem>>, vector<16xf32>,
    %swap3A_87 = vector.shape_cast %swap3A_86 : vector<16xf32> to vector<16xf32>
    %swap3A_88 = vector.shape_cast %broadcast_in_dim3A_84 : vector<16xf32> to vector<16xf32>
    tpu.vector_store %arg8[%swap3A_85], %swap3A_88 {strides = array<i32>} : memref<128xf32, #tpu.memory_space<vmem>>, vector<16xf32>,
    %broadcast_in_dim3A_89 = arith.constant 0.000000e+00 : f32
    %broadcast_in_dim3A_90 = vector.broadcast %broadcast_in_dim3A_89 : f32 to vector<16xf32>
    %swap3A_91 = arith.constant 0 : index
    %swap3A_92 = tpu.vector_load %arg9[%swap3A_91] {strides = array<i32>} : memref<512xf32, #tpu.memory_space<vmem>>, vector<16xf32>,
    %swap3A_93 = vector.shape_cast %swap3A_92 : vector<16xf32> to vector<16xf32>
    %swap3A_94 = vector.shape_cast %broadcast_in_dim3A_90 : vector<16xf32> to vector<16xf32>
    tpu.vector_store %arg9[%swap3A_91], %swap3A_94 {strides = array<i32>} : memref<512xf32, #tpu.memory_space<vmem>>, vector<16xf32>,
    %broadcast_in_dim3A_95 = arith.constant 0.000000e+00 : f32
    %broadcast_in_dim3A_96 = vector.broadcast %broadcast_in_dim3A_95 : f32 to vector<16xf32>
    %swap3A_97 = arith.constant 16 : index
    %swap3A_98 = tpu.vector_load %arg9[%swap3A_97] {strides = array<i32>} : memref<512xf32, #tpu.memory_space<vmem>>, vector<16xf32>,
    %swap3A_99 = vector.shape_cast %swap3A_98 : vector<16xf32> to vector<16xf32>
    %swap3A_100 = vector.shape_cast %broadcast_in_dim3A_96 : vector<16xf32> to vector<16xf32>
    tpu.vector_store %arg9[%swap3A_97], %swap3A_100 {strides = array<i32>} : memref<512xf32, #tpu.memory_space<vmem>>, vector<16xf32>,
    %broadcast_in_dim3A_101 = arith.constant 0.000000e+00 : f32
    %broadcast_in_dim3A_102 = vector.broadcast %broadcast_in_dim3A_101 : f32 to vector<16xf32>
    %swap3A_103 = arith.constant 32 : index
    %swap3A_104 = tpu.vector_load %arg9[%swap3A_103] {strides = array<i32>} : memref<512xf32, #tpu.memory_space<vmem>>, vector<16xf32>,
    %swap3A_105 = vector.shape_cast %swap3A_104 : vector<16xf32> to vector<16xf32>
    %swap3A_106 = vector.shape_cast %broadcast_in_dim3A_102 : vector<16xf32> to vector<16xf32>
    tpu.vector_store %arg9[%swap3A_103], %swap3A_106 {strides = array<i32>} : memref<512xf32, #tpu.memory_space<vmem>>, vector<16xf32>,
    %broadcast_in_dim3A_107 = arith.constant 0.000000e+00 : f32
    %broadcast_in_dim3A_108 = vector.broadcast %broadcast_in_dim3A_107 : f32 to vector<16xf32>
    %swap3A_109 = arith.constant 48 : index
    %swap3A_110 = tpu.vector_load %arg9[%swap3A_109] {strides = array<i32>} : memref<512xf32, #tpu.memory_space<vmem>>, vector<16xf32>,
    %swap3A_111 = vector.shape_cast %swap3A_110 : vector<16xf32> to vector<16xf32>
    %swap3A_112 = vector.shape_cast %broadcast_in_dim3A_108 : vector<16xf32> to vector<16xf32>
    tpu.vector_store %arg9[%swap3A_109], %swap3A_112 {strides = array<i32>} : memref<512xf32, #tpu.memory_space<vmem>>, vector<16xf32>,
    %broadcast_in_dim3A_113 = arith.constant 0.000000e+00 : f32
    %broadcast_in_dim3A_114 = vector.broadcast %broadcast_in_dim3A_113 : f32 to vector<16xf32>
    %swap3A_115 = arith.constant 64 : index
    %swap3A_116 = tpu.vector_load %arg9[%swap3A_115] {strides = array<i32>} : memref<512xf32, #tpu.memory_space<vmem>>, vector<16xf32>,
    %swap3A_117 = vector.shape_cast %swap3A_116 : vector<16xf32> to vector<16xf32>
    %swap3A_118 = vector.shape_cast %broadcast_in_dim3A_114 : vector<16xf32> to vector<16xf32>
    tpu.vector_store %arg9[%swap3A_115], %swap3A_118 {strides = array<i32>} : memref<512xf32, #tpu.memory_space<vmem>>, vector<16xf32>,
    %broadcast_in_dim3A_119 = arith.constant 0.000000e+00 : f32
    %broadcast_in_dim3A_120 = vector.broadcast %broadcast_in_dim3A_119 : f32 to vector<16xf32>
    %swap3A_121 = arith.constant 80 : index
    %swap3A_122 = tpu.vector_load %arg9[%swap3A_121] {strides = array<i32>} : memref<512xf32, #tpu.memory_space<vmem>>, vector<16xf32>,
    %swap3A_123 = vector.shape_cast %swap3A_122 : vector<16xf32> to vector<16xf32>
    %swap3A_124 = vector.shape_cast %broadcast_in_dim3A_120 : vector<16xf32> to vector<16xf32>
    tpu.vector_store %arg9[%swap3A_121], %swap3A_124 {strides = array<i32>} : memref<512xf32, #tpu.memory_space<vmem>>, vector<16xf32>,
    %broadcast_in_dim3A_125 = arith.constant 0.000000e+00 : f32
    %broadcast_in_dim3A_126 = vector.broadcast %broadcast_in_dim3A_125 : f32 to vector<16xf32>
    %swap3A_127 = arith.constant 96 : index
    %swap3A_128 = tpu.vector_load %arg9[%swap3A_127] {strides = array<i32>} : memref<512xf32, #tpu.memory_space<vmem>>, vector<16xf32>,
    %swap3A_129 = vector.shape_cast %swap3A_128 : vector<16xf32> to vector<16xf32>
    %swap3A_130 = vector.shape_cast %broadcast_in_dim3A_126 : vector<16xf32> to vector<16xf32>
    tpu.vector_store %arg9[%swap3A_127], %swap3A_130 {strides = array<i32>} : memref<512xf32, #tpu.memory_space<vmem>>, vector<16xf32>,
    %broadcast_in_dim3A_131 = arith.constant 0.000000e+00 : f32
    %broadcast_in_dim3A_132 = vector.broadcast %broadcast_in_dim3A_131 : f32 to vector<16xf32>
    %swap3A_133 = arith.constant 112 : index
    %swap3A_134 = tpu.vector_load %arg9[%swap3A_133] {strides = array<i32>} : memref<512xf32, #tpu.memory_space<vmem>>, vector<16xf32>,
    %swap3A_135 = vector.shape_cast %swap3A_134 : vector<16xf32> to vector<16xf32>
    %swap3A_136 = vector.shape_cast %broadcast_in_dim3A_132 : vector<16xf32> to vector<16xf32>
    tpu.vector_store %arg9[%swap3A_133], %swap3A_136 {strides = array<i32>} : memref<512xf32, #tpu.memory_space<vmem>>, vector<16xf32>,
    %broadcast_in_dim3A_137 = arith.constant 0.000000e+00 : f32
    %broadcast_in_dim3A_138 = vector.broadcast %broadcast_in_dim3A_137 : f32 to vector<16xf32>
    %swap3A_139 = arith.constant 128 : index
    %swap3A_140 = tpu.vector_load %arg9[%swap3A_139] {strides = array<i32>} : memref<512xf32, #tpu.memory_space<vmem>>, vector<16xf32>,
    %swap3A_141 = vector.shape_cast %swap3A_140 : vector<16xf32> to vector<16xf32>
    %swap3A_142 = vector.shape_cast %broadcast_in_dim3A_138 : vector<16xf32> to vector<16xf32>
    tpu.vector_store %arg9[%swap3A_139], %swap3A_142 {strides = array<i32>} : memref<512xf32, #tpu.memory_space<vmem>>, vector<16xf32>,
    %broadcast_in_dim3A_143 = arith.constant 0.000000e+00 : f32
    %broadcast_in_dim3A_144 = vector.broadcast %broadcast_in_dim3A_143 : f32 to vector<16xf32>
    %swap3A_145 = arith.constant 144 : index
    %swap3A_146 = tpu.vector_load %arg9[%swap3A_145] {strides = array<i32>} : memref<512xf32, #tpu.memory_space<vmem>>, vector<16xf32>,
    %swap3A_147 = vector.shape_cast %swap3A_146 : vector<16xf32> to vector<16xf32>
    %swap3A_148 = vector.shape_cast %broadcast_in_dim3A_144 : vector<16xf32> to vector<16xf32>
    tpu.vector_store %arg9[%swap3A_145], %swap3A_148 {strides = array<i32>} : memref<512xf32, #tpu.memory_space<vmem>>, vector<16xf32>,
    %broadcast_in_dim3A_149 = arith.constant 0.000000e+00 : f32
    %broadcast_in_dim3A_150 = vector.broadcast %broadcast_in_dim3A_149 : f32 to vector<16xf32>
    %swap3A_151 = arith.constant 160 : index
    %swap3A_152 = tpu.vector_load %arg9[%swap3A_151] {strides = array<i32>} : memref<512xf32, #tpu.memory_space<vmem>>, vector<16xf32>,
    %swap3A_153 = vector.shape_cast %swap3A_152 : vector<16xf32> to vector<16xf32>
    %swap3A_154 = vector.shape_cast %broadcast_in_dim3A_150 : vector<16xf32> to vector<16xf32>
    tpu.vector_store %arg9[%swap3A_151], %swap3A_154 {strides = array<i32>} : memref<512xf32, #tpu.memory_space<vmem>>, vector<16xf32>,
    %broadcast_in_dim3A_155 = arith.constant 0.000000e+00 : f32
    %broadcast_in_dim3A_156 = vector.broadcast %broadcast_in_dim3A_155 : f32 to vector<16xf32>
    %swap3A_157 = arith.constant 176 : index
    %swap3A_158 = tpu.vector_load %arg9[%swap3A_157] {strides = array<i32>} : memref<512xf32, #tpu.memory_space<vmem>>, vector<16xf32>,
    %swap3A_159 = vector.shape_cast %swap3A_158 : vector<16xf32> to vector<16xf32>
    %swap3A_160 = vector.shape_cast %broadcast_in_dim3A_156 : vector<16xf32> to vector<16xf32>
    tpu.vector_store %arg9[%swap3A_157], %swap3A_160 {strides = array<i32>} : memref<512xf32, #tpu.memory_space<vmem>>, vector<16xf32>,
    %broadcast_in_dim3A_161 = arith.constant 0.000000e+00 : f32
    %broadcast_in_dim3A_162 = vector.broadcast %broadcast_in_dim3A_161 : f32 to vector<16xf32>
    %swap3A_163 = arith.constant 192 : index
    %swap3A_164 = tpu.vector_load %arg9[%swap3A_163] {strides = array<i32>} : memref<512xf32, #tpu.memory_space<vmem>>, vector<16xf32>,
    %swap3A_165 = vector.shape_cast %swap3A_164 : vector<16xf32> to vector<16xf32>
    %swap3A_166 = vector.shape_cast %broadcast_in_dim3A_162 : vector<16xf32> to vector<16xf32>
    tpu.vector_store %arg9[%swap3A_163], %swap3A_166 {strides = array<i32>} : memref<512xf32, #tpu.memory_space<vmem>>, vector<16xf32>,
    %broadcast_in_dim3A_167 = arith.constant 0.000000e+00 : f32
    %broadcast_in_dim3A_168 = vector.broadcast %broadcast_in_dim3A_167 : f32 to vector<16xf32>
    %swap3A_169 = arith.constant 208 : index
    %swap3A_170 = tpu.vector_load %arg9[%swap3A_169] {strides = array<i32>} : memref<512xf32, #tpu.memory_space<vmem>>, vector<16xf32>,
    %swap3A_171 = vector.shape_cast %swap3A_170 : vector<16xf32> to vector<16xf32>
    %swap3A_172 = vector.shape_cast %broadcast_in_dim3A_168 : vector<16xf32> to vector<16xf32>
    tpu.vector_store %arg9[%swap3A_169], %swap3A_172 {strides = array<i32>} : memref<512xf32, #tpu.memory_space<vmem>>, vector<16xf32>,
    %broadcast_in_dim3A_173 = arith.constant 0.000000e+00 : f32
    %broadcast_in_dim3A_174 = vector.broadcast %broadcast_in_dim3A_173 : f32 to vector<16xf32>
    %swap3A_175 = arith.constant 224 : index
    %swap3A_176 = tpu.vector_load %arg9[%swap3A_175] {strides = array<i32>} : memref<512xf32, #tpu.memory_space<vmem>>, vector<16xf32>,
    %swap3A_177 = vector.shape_cast %swap3A_176 : vector<16xf32> to vector<16xf32>
    %swap3A_178 = vector.shape_cast %broadcast_in_dim3A_174 : vector<16xf32> to vector<16xf32>
    tpu.vector_store %arg9[%swap3A_175], %swap3A_178 {strides = array<i32>} : memref<512xf32, #tpu.memory_space<vmem>>, vector<16xf32>,
    %broadcast_in_dim3A_179 = arith.constant 0.000000e+00 : f32
    %broadcast_in_dim3A_180 = vector.broadcast %broadcast_in_dim3A_179 : f32 to vector<16xf32>
    %swap3A_181 = arith.constant 240 : index
    %swap3A_182 = tpu.vector_load %arg9[%swap3A_181] {strides = array<i32>} : memref<512xf32, #tpu.memory_space<vmem>>, vector<16xf32>,
    %swap3A_183 = vector.shape_cast %swap3A_182 : vector<16xf32> to vector<16xf32>
    %swap3A_184 = vector.shape_cast %broadcast_in_dim3A_180 : vector<16xf32> to vector<16xf32>
    tpu.vector_store %arg9[%swap3A_181], %swap3A_184 {strides = array<i32>} : memref<512xf32, #tpu.memory_space<vmem>>, vector<16xf32>,
    %broadcast_in_dim3A_185 = arith.constant 0.000000e+00 : f32
    %broadcast_in_dim3A_186 = vector.broadcast %broadcast_in_dim3A_185 : f32 to vector<16xf32>
    %swap3A_187 = arith.constant 256 : index
    %swap3A_188 = tpu.vector_load %arg9[%swap3A_187] {strides = array<i32>} : memref<512xf32, #tpu.memory_space<vmem>>, vector<16xf32>,
    %swap3A_189 = vector.shape_cast %swap3A_188 : vector<16xf32> to vector<16xf32>
    %swap3A_190 = vector.shape_cast %broadcast_in_dim3A_186 : vector<16xf32> to vector<16xf32>
    tpu.vector_store %arg9[%swap3A_187], %swap3A_190 {strides = array<i32>} : memref<512xf32, #tpu.memory_space<vmem>>, vector<16xf32>,
    %broadcast_in_dim3A_191 = arith.constant 0.000000e+00 : f32
    %broadcast_in_dim3A_192 = vector.broadcast %broadcast_in_dim3A_191 : f32 to vector<16xf32>
    %swap3A_193 = arith.constant 272 : index
    %swap3A_194 = tpu.vector_load %arg9[%swap3A_193] {strides = array<i32>} : memref<512xf32, #tpu.memory_space<vmem>>, vector<16xf32>,
    %swap3A_195 = vector.shape_cast %swap3A_194 : vector<16xf32> to vector<16xf32>
    %swap3A_196 = vector.shape_cast %broadcast_in_dim3A_192 : vector<16xf32> to vector<16xf32>
    tpu.vector_store %arg9[%swap3A_193], %swap3A_196 {strides = array<i32>} : memref<512xf32, #tpu.memory_space<vmem>>, vector<16xf32>,
    %broadcast_in_dim3A_197 = arith.constant 0.000000e+00 : f32
    %broadcast_in_dim3A_198 = vector.broadcast %broadcast_in_dim3A_197 : f32 to vector<16xf32>
    %swap3A_199 = arith.constant 288 : index
    %swap3A_200 = tpu.vector_load %arg9[%swap3A_199] {strides = array<i32>} : memref<512xf32, #tpu.memory_space<vmem>>, vector<16xf32>,
    %swap3A_201 = vector.shape_cast %swap3A_200 : vector<16xf32> to vector<16xf32>
    %swap3A_202 = vector.shape_cast %broadcast_in_dim3A_198 : vector<16xf32> to vector<16xf32>
    tpu.vector_store %arg9[%swap3A_199], %swap3A_202 {strides = array<i32>} : memref<512xf32, #tpu.memory_space<vmem>>, vector<16xf32>,
    %broadcast_in_dim3A_203 = arith.constant 0.000000e+00 : f32
    %broadcast_in_dim3A_204 = vector.broadcast %broadcast_in_dim3A_203 : f32 to vector<16xf32>
    %swap3A_205 = arith.constant 304 : index
    %swap3A_206 = tpu.vector_load %arg9[%swap3A_205] {strides = array<i32>} : memref<512xf32, #tpu.memory_space<vmem>>, vector<16xf32>,
    %swap3A_207 = vector.shape_cast %swap3A_206 : vector<16xf32> to vector<16xf32>
    %swap3A_208 = vector.shape_cast %broadcast_in_dim3A_204 : vector<16xf32> to vector<16xf32>
    tpu.vector_store %arg9[%swap3A_205], %swap3A_208 {strides = array<i32>} : memref<512xf32, #tpu.memory_space<vmem>>, vector<16xf32>,
    %broadcast_in_dim3A_209 = arith.constant 0.000000e+00 : f32
    %broadcast_in_dim3A_210 = vector.broadcast %broadcast_in_dim3A_209 : f32 to vector<16xf32>
    %swap3A_211 = arith.constant 320 : index
    %swap3A_212 = tpu.vector_load %arg9[%swap3A_211] {strides = array<i32>} : memref<512xf32, #tpu.memory_space<vmem>>, vector<16xf32>,
    %swap3A_213 = vector.shape_cast %swap3A_212 : vector<16xf32> to vector<16xf32>
    %swap3A_214 = vector.shape_cast %broadcast_in_dim3A_210 : vector<16xf32> to vector<16xf32>
    tpu.vector_store %arg9[%swap3A_211], %swap3A_214 {strides = array<i32>} : memref<512xf32, #tpu.memory_space<vmem>>, vector<16xf32>,
    %broadcast_in_dim3A_215 = arith.constant 0.000000e+00 : f32
    %broadcast_in_dim3A_216 = vector.broadcast %broadcast_in_dim3A_215 : f32 to vector<16xf32>
    %swap3A_217 = arith.constant 336 : index
    %swap3A_218 = tpu.vector_load %arg9[%swap3A_217] {strides = array<i32>} : memref<512xf32, #tpu.memory_space<vmem>>, vector<16xf32>,
    %swap3A_219 = vector.shape_cast %swap3A_218 : vector<16xf32> to vector<16xf32>
    %swap3A_220 = vector.shape_cast %broadcast_in_dim3A_216 : vector<16xf32> to vector<16xf32>
    tpu.vector_store %arg9[%swap3A_217], %swap3A_220 {strides = array<i32>} : memref<512xf32, #tpu.memory_space<vmem>>, vector<16xf32>,
    %broadcast_in_dim3A_221 = arith.constant 0.000000e+00 : f32
    %broadcast_in_dim3A_222 = vector.broadcast %broadcast_in_dim3A_221 : f32 to vector<16xf32>
    %swap3A_223 = arith.constant 352 : index
    %swap3A_224 = tpu.vector_load %arg9[%swap3A_223] {strides = array<i32>} : memref<512xf32, #tpu.memory_space<vmem>>, vector<16xf32>,
    %swap3A_225 = vector.shape_cast %swap3A_224 : vector<16xf32> to vector<16xf32>
    %swap3A_226 = vector.shape_cast %broadcast_in_dim3A_222 : vector<16xf32> to vector<16xf32>
    tpu.vector_store %arg9[%swap3A_223], %swap3A_226 {strides = array<i32>} : memref<512xf32, #tpu.memory_space<vmem>>, vector<16xf32>,
    %broadcast_in_dim3A_227 = arith.constant 0.000000e+00 : f32
    %broadcast_in_dim3A_228 = vector.broadcast %broadcast_in_dim3A_227 : f32 to vector<16xf32>
    %swap3A_229 = arith.constant 368 : index
    %swap3A_230 = tpu.vector_load %arg9[%swap3A_229] {strides = array<i32>} : memref<512xf32, #tpu.memory_space<vmem>>, vector<16xf32>,
    %swap3A_231 = vector.shape_cast %swap3A_230 : vector<16xf32> to vector<16xf32>
    %swap3A_232 = vector.shape_cast %broadcast_in_dim3A_228 : vector<16xf32> to vector<16xf32>
    tpu.vector_store %arg9[%swap3A_229], %swap3A_232 {strides = array<i32>} : memref<512xf32, #tpu.memory_space<vmem>>, vector<16xf32>,
    %broadcast_in_dim3A_233 = arith.constant 0.000000e+00 : f32
    %broadcast_in_dim3A_234 = vector.broadcast %broadcast_in_dim3A_233 : f32 to vector<16xf32>
    %swap3A_235 = arith.constant 384 : index
    %swap3A_236 = tpu.vector_load %arg9[%swap3A_235] {strides = array<i32>} : memref<512xf32, #tpu.memory_space<vmem>>, vector<16xf32>,
    %swap3A_237 = vector.shape_cast %swap3A_236 : vector<16xf32> to vector<16xf32>
    %swap3A_238 = vector.shape_cast %broadcast_in_dim3A_234 : vector<16xf32> to vector<16xf32>
    tpu.vector_store %arg9[%swap3A_235], %swap3A_238 {strides = array<i32>} : memref<512xf32, #tpu.memory_space<vmem>>, vector<16xf32>,
    %broadcast_in_dim3A_239 = arith.constant 0.000000e+00 : f32
    %broadcast_in_dim3A_240 = vector.broadcast %broadcast_in_dim3A_239 : f32 to vector<16xf32>
    %swap3A_241 = arith.constant 400 : index
    %swap3A_242 = tpu.vector_load %arg9[%swap3A_241] {strides = array<i32>} : memref<512xf32, #tpu.memory_space<vmem>>, vector<16xf32>,
    %swap3A_243 = vector.shape_cast %swap3A_242 : vector<16xf32> to vector<16xf32>
    %swap3A_244 = vector.shape_cast %broadcast_in_dim3A_240 : vector<16xf32> to vector<16xf32>
    tpu.vector_store %arg9[%swap3A_241], %swap3A_244 {strides = array<i32>} : memref<512xf32, #tpu.memory_space<vmem>>, vector<16xf32>,
    %broadcast_in_dim3A_245 = arith.constant 0.000000e+00 : f32
    %broadcast_in_dim3A_246 = vector.broadcast %broadcast_in_dim3A_245 : f32 to vector<16xf32>
    %swap3A_247 = arith.constant 416 : index
    %swap3A_248 = tpu.vector_load %arg9[%swap3A_247] {strides = array<i32>} : memref<512xf32, #tpu.memory_space<vmem>>, vector<16xf32>,
    %swap3A_249 = vector.shape_cast %swap3A_248 : vector<16xf32> to vector<16xf32>
    %swap3A_250 = vector.shape_cast %broadcast_in_dim3A_246 : vector<16xf32> to vector<16xf32>
    tpu.vector_store %arg9[%swap3A_247], %swap3A_250 {strides = array<i32>} : memref<512xf32, #tpu.memory_space<vmem>>, vector<16xf32>,
    %broadcast_in_dim3A_251 = arith.constant 0.000000e+00 : f32
    %broadcast_in_dim3A_252 = vector.broadcast %broadcast_in_dim3A_251 : f32 to vector<16xf32>
    %swap3A_253 = arith.constant 432 : index
    %swap3A_254 = tpu.vector_load %arg9[%swap3A_253] {strides = array<i32>} : memref<512xf32, #tpu.memory_space<vmem>>, vector<16xf32>,
    %swap3A_255 = vector.shape_cast %swap3A_254 : vector<16xf32> to vector<16xf32>
    %swap3A_256 = vector.shape_cast %broadcast_in_dim3A_252 : vector<16xf32> to vector<16xf32>
    tpu.vector_store %arg9[%swap3A_253], %swap3A_256 {strides = array<i32>} : memref<512xf32, #tpu.memory_space<vmem>>, vector<16xf32>,
    %broadcast_in_dim3A_257 = arith.constant 0.000000e+00 : f32
    %broadcast_in_dim3A_258 = vector.broadcast %broadcast_in_dim3A_257 : f32 to vector<16xf32>
    %swap3A_259 = arith.constant 448 : index
    %swap3A_260 = tpu.vector_load %arg9[%swap3A_259] {strides = array<i32>} : memref<512xf32, #tpu.memory_space<vmem>>, vector<16xf32>,
    %swap3A_261 = vector.shape_cast %swap3A_260 : vector<16xf32> to vector<16xf32>
    %swap3A_262 = vector.shape_cast %broadcast_in_dim3A_258 : vector<16xf32> to vector<16xf32>
    tpu.vector_store %arg9[%swap3A_259], %swap3A_262 {strides = array<i32>} : memref<512xf32, #tpu.memory_space<vmem>>, vector<16xf32>,
    %broadcast_in_dim3A_263 = arith.constant 0.000000e+00 : f32
    %broadcast_in_dim3A_264 = vector.broadcast %broadcast_in_dim3A_263 : f32 to vector<16xf32>
    %swap3A_265 = arith.constant 464 : index
    %swap3A_266 = tpu.vector_load %arg9[%swap3A_265] {strides = array<i32>} : memref<512xf32, #tpu.memory_space<vmem>>, vector<16xf32>,
    %swap3A_267 = vector.shape_cast %swap3A_266 : vector<16xf32> to vector<16xf32>
    %swap3A_268 = vector.shape_cast %broadcast_in_dim3A_264 : vector<16xf32> to vector<16xf32>
    tpu.vector_store %arg9[%swap3A_265], %swap3A_268 {strides = array<i32>} : memref<512xf32, #tpu.memory_space<vmem>>, vector<16xf32>,
    %broadcast_in_dim3A_269 = arith.constant 0.000000e+00 : f32
    %broadcast_in_dim3A_270 = vector.broadcast %broadcast_in_dim3A_269 : f32 to vector<16xf32>
    %swap3A_271 = arith.constant 480 : index
    %swap3A_272 = tpu.vector_load %arg9[%swap3A_271] {strides = array<i32>} : memref<512xf32, #tpu.memory_space<vmem>>, vector<16xf32>,
    %swap3A_273 = vector.shape_cast %swap3A_272 : vector<16xf32> to vector<16xf32>
    %swap3A_274 = vector.shape_cast %broadcast_in_dim3A_270 : vector<16xf32> to vector<16xf32>
    tpu.vector_store %arg9[%swap3A_271], %swap3A_274 {strides = array<i32>} : memref<512xf32, #tpu.memory_space<vmem>>, vector<16xf32>,
    %broadcast_in_dim3A_275 = arith.constant 0.000000e+00 : f32
    %broadcast_in_dim3A_276 = vector.broadcast %broadcast_in_dim3A_275 : f32 to vector<16xf32>
    %swap3A_277 = arith.constant 496 : index
    %swap3A_278 = tpu.vector_load %arg9[%swap3A_277] {strides = array<i32>} : memref<512xf32, #tpu.memory_space<vmem>>, vector<16xf32>,
    %swap3A_279 = vector.shape_cast %swap3A_278 : vector<16xf32> to vector<16xf32>
    %swap3A_280 = vector.shape_cast %broadcast_in_dim3A_276 : vector<16xf32> to vector<16xf32>
    tpu.vector_store %arg9[%swap3A_277], %swap3A_280 {strides = array<i32>} : memref<512xf32, #tpu.memory_space<vmem>>, vector<16xf32>,
    %mul3A_281 = arith.constant 512 : i32
    %mul3A_282 = arith.muli %arg1, %mul3A_281 : i32
    "tpu.region"() ({
      %run_scoped3A_287 = tpu.sem_alloc : memref<!tpu.dma_semaphore, #tpu.memory_space<semaphore_mem>>
      %dma_start3A_288 = tpu.memref_slice %arg10[%mul3A_282] : memref<8192xf32, #tpu.memory_space<vmem_shared>> -> memref<512xf32, #tpu.memory_space<vmem_shared>>
      %dma_start3A_289 = tpu.memref_slice %arg10[%mul3A_282] : memref<8192xf32, #tpu.memory_space<vmem_shared>> -> memref<512xf32, #tpu.memory_space<vmem_shared>>
      tpu.enqueue_dma source(%arg9 : memref<512xf32, #tpu.memory_space<vmem>>) target(%dma_start3A_289 : memref<512xf32, #tpu.memory_space<vmem_shared>>) target_semaphore(%run_scoped3A_287 : memref<!tpu.dma_semaphore, #tpu.memory_space<semaphore_mem>>)
      %dma_wait3A_290 = tpu.memref_slice %arg10[%mul3A_282] : memref<8192xf32, #tpu.memory_space<vmem_shared>> -> memref<512xf32, #tpu.memory_space<vmem_shared>>
      %dma_wait3A_291 = tpu.memref_slice %arg10[%mul3A_282] : memref<8192xf32, #tpu.memory_space<vmem_shared>> -> memref<512xf32, #tpu.memory_space<vmem_shared>>
      tpu.wait_dma2 semaphore(%run_scoped3A_287 : memref<!tpu.dma_semaphore, #tpu.memory_space<semaphore_mem>>) src(%arg9 : memref<512xf32, #tpu.memory_space<vmem>>) dst(%dma_wait3A_291 : memref<512xf32, #tpu.memory_space<vmem_shared>>)
      tpu.yield
    }) : () -> ()
    %barrier3A = arith.constant 0 : index
    tpu.barrier barrier_id(%barrier3A)
    %run_scoped3A = arith.constant 0 : i32
    "tpu.region"() ({
      %run_scoped3A_287 = tpu.sem_alloc : memref<!tpu.dma_semaphore, #tpu.memory_space<semaphore_mem>>
      %dma_start3A_288 = arith.constant 0 : i32
      %dma_start3A_289 = tpu.memref_slice %arg6[%run_scoped3A, %dma_start3A_288] : memref<2x128xi32, #tpu.memory_space<vmem>> -> memref<1x128xi32, #tpu.memory_space<vmem>>
      %dma_start3A_290 = tpu.memref_squeeze %dma_start3A_289 : memref<1x128xi32, #tpu.memory_space<vmem>> -> memref<128xi32, #tpu.memory_space<vmem>>
      %dma_start3A_291 = arith.constant 0 : i32
      %dma_start3A_292 = tpu.memref_slice %arg10[%dma_start3A_291] : memref<8192xf32, #tpu.memory_space<vmem_shared>> -> memref<8192xf32, #tpu.memory_space<vmem_shared>>
      tpu.enqueue_indirect_dma source(%arg8 : memref<128xf32, #tpu.memory_space<vmem>>) target(%dma_start3A_292 : memref<8192xf32, #tpu.memory_space<vmem_shared>>) offsets(%dma_start3A_290 : memref<128xi32, #tpu.memory_space<vmem>>) semaphore(%run_scoped3A_287 : memref<!tpu.dma_semaphore, #tpu.memory_space<semaphore_mem>>) {add = true}
      %dma_wait3A_293 = arith.constant 0 : i32
      %dma_wait3A_294 = tpu.memref_slice %arg6[%run_scoped3A, %dma_wait3A_293] : memref<2x128xi32, #tpu.memory_space<vmem>> -> memref<1x128xi32, #tpu.memory_space<vmem>>
      %dma_wait3A_295 = tpu.memref_squeeze %dma_wait3A_294 : memref<1x128xi32, #tpu.memory_space<vmem>> -> memref<128xi32, #tpu.memory_space<vmem>>
      %dma_wait3A_296 = arith.constant 0 : i32
      %dma_wait3A_297 = tpu.memref_slice %arg10[%dma_wait3A_296] : memref<8192xf32, #tpu.memory_space<vmem_shared>> -> memref<8192xf32, #tpu.memory_space<vmem_shared>>
      tpu.wait_indirect_dma semaphore(%run_scoped3A_287 : memref<!tpu.dma_semaphore, #tpu.memory_space<semaphore_mem>>) src(%arg8 : memref<128xf32, #tpu.memory_space<vmem>>) dst(%dma_wait3A_297 : memref<8192xf32, #tpu.memory_space<vmem_shared>>)
      tpu.yield
    }) : () -> ()
    %run_scoped3A_283 = arith.constant 1 : i32
    "tpu.region"() ({
      %run_scoped3A_287 = tpu.sem_alloc : memref<!tpu.dma_semaphore, #tpu.memory_space<semaphore_mem>>
      %dma_start3A_288 = arith.constant 0 : i32
      %dma_start3A_289 = tpu.memref_slice %arg6[%run_scoped3A_283, %dma_start3A_288] : memref<2x128xi32, #tpu.memory_space<vmem>> -> memref<1x128xi32, #tpu.memory_space<vmem>>
      %dma_start3A_290 = tpu.memref_squeeze %dma_start3A_289 : memref<1x128xi32, #tpu.memory_space<vmem>> -> memref<128xi32, #tpu.memory_space<vmem>>
      %dma_start3A_291 = arith.constant 0 : i32
      %dma_start3A_292 = tpu.memref_slice %arg10[%dma_start3A_291] : memref<8192xf32, #tpu.memory_space<vmem_shared>> -> memref<8192xf32, #tpu.memory_space<vmem_shared>>
      tpu.enqueue_indirect_dma source(%arg8 : memref<128xf32, #tpu.memory_space<vmem>>) target(%dma_start3A_292 : memref<8192xf32, #tpu.memory_space<vmem_shared>>) offsets(%dma_start3A_290 : memref<128xi32, #tpu.memory_space<vmem>>) semaphore(%run_scoped3A_287 : memref<!tpu.dma_semaphore, #tpu.memory_space<semaphore_mem>>) {add = true}
      %dma_wait3A_293 = arith.constant 0 : i32
      %dma_wait3A_294 = tpu.memref_slice %arg6[%run_scoped3A_283, %dma_wait3A_293] : memref<2x128xi32, #tpu.memory_space<vmem>> -> memref<1x128xi32, #tpu.memory_space<vmem>>
      %dma_wait3A_295 = tpu.memref_squeeze %dma_wait3A_294 : memref<1x128xi32, #tpu.memory_space<vmem>> -> memref<128xi32, #tpu.memory_space<vmem>>
      %dma_wait3A_296 = arith.constant 0 : i32
      %dma_wait3A_297 = tpu.memref_slice %arg10[%dma_wait3A_296] : memref<8192xf32, #tpu.memory_space<vmem_shared>> -> memref<8192xf32, #tpu.memory_space<vmem_shared>>
      tpu.wait_indirect_dma semaphore(%run_scoped3A_287 : memref<!tpu.dma_semaphore, #tpu.memory_space<semaphore_mem>>) src(%arg8 : memref<128xf32, #tpu.memory_space<vmem>>) dst(%dma_wait3A_297 : memref<8192xf32, #tpu.memory_space<vmem_shared>>)
      tpu.yield
    }) : () -> ()
    %barrier3A_284 = arith.constant 0 : index
    tpu.barrier barrier_id(%barrier3A_284)
    %eq3A = arith.constant 0 : i32
    %eq3A_285 = arith.cmpi eq, %arg1, %eq3A : i32
    %convert_element_type3A = arith.extui %eq3A_285 : i1 to i32
    %cond3A = arith.constant 0 : i32
    %cond3A_286 = arith.cmpi ne, %convert_element_type3A, %cond3A : i32
    scf.if %cond3A_286 {
      "tpu.region"() ({
        %run_scoped3A_287 = tpu.sem_alloc : memref<!tpu.dma_semaphore, #tpu.memory_space<semaphore_mem>>
        %dma_start3A_288 = arith.constant 0 : i32
        %dma_start3A_289 = tpu.memref_slice %arg5[%arg0, %dma_start3A_288] : memref<2x8192xf32, #tpu.memory_space<hbm>> -> memref<1x8192xf32, #tpu.memory_space<hbm>>
        %dma_start3A_290 = tpu.memref_squeeze %dma_start3A_289 : memref<1x8192xf32, #tpu.memory_space<hbm>> -> memref<8192xf32, #tpu.memory_space<hbm>>
        tpu.enqueue_dma source(%arg10 : memref<8192xf32, #tpu.memory_space<vmem_shared>>) target(%dma_start3A_290 : memref<8192xf32, #tpu.memory_space<hbm>>) target_semaphore(%run_scoped3A_287 : memref<!tpu.dma_semaphore, #tpu.memory_space<semaphore_mem>>)
        %dma_wait3A_291 = arith.constant 0 : i32
        %dma_wait3A_292 = tpu.memref_slice %arg5[%arg0, %dma_wait3A_291] : memref<2x8192xf32, #tpu.memory_space<hbm>> -> memref<1x8192xf32, #tpu.memory_space<hbm>>
        %dma_wait3A_293 = tpu.memref_squeeze %dma_wait3A_292 : memref<1x8192xf32, #tpu.memory_space<hbm>> -> memref<8192xf32, #tpu.memory_space<hbm>>
        tpu.wait_dma2 semaphore(%run_scoped3A_287 : memref<!tpu.dma_semaphore, #tpu.memory_space<semaphore_mem>>) src(%arg10 : memref<8192xf32, #tpu.memory_space<vmem_shared>>) dst(%dma_wait3A_293 : memref<8192xf32, #tpu.memory_space<hbm>>)
        tpu.yield
      }) : () -> ()
    } else {
    }
    return
  }
}

module attributes {stable_mosaic.version = 14 : i64} {
  func.func @_argmin_body(%arg0: i32, %arg1: memref<1024x32xf32, #tpu.memory_space<vmem>>, %arg2: memref<8192x32xf32, #tpu.memory_space<vmem>>, %arg3: memref<1024x1xf32, #tpu.memory_space<vmem>>, %arg4: memref<1x8192xf32, #tpu.memory_space<vmem>>, %arg5: memref<1x1024x1xi32, #tpu.memory_space<vmem>>) attributes {dimension_semantics = [#tpu.dimension_semantics<arbitrary>], iteration_bounds = array<i64: 8>, scalar_prefetch = 0 : i64, scratch_operands = 0 : i64, tpu.core_type = #tpu.core_type<tc>, window_params = [{transform_indices = @transform_0, window_bounds = array<i64: 1024, 32>}, {pipeline_mode = #tpu.pipeline_mode<synchronous>, transform_indices = @transform_1, window_bounds = array<i64: 8192, 32>}, {transform_indices = @transform_2, window_bounds = array<i64: 1024, 1>}, {pipeline_mode = #tpu.pipeline_mode<synchronous>, transform_indices = @transform_3, window_bounds = array<i64: 1, 8192>}, {transform_indices = @transform_4, window_bounds = array<i64: 1, 1024, 1>}]} {
    %get3A = arith.constant 0 : index
    %get3A_0 = arith.constant 0 : index
    %get3A_1 = vector.load %arg1[%get3A, %get3A_0] : memref<1024x32xf32, #tpu.memory_space<vmem>>, vector<1024x32xf32>
    %get3A_2 = arith.constant 0 : index
    %get3A_3 = arith.constant 0 : index
    %get3A_4 = vector.load %arg3[%get3A_2, %get3A_3] : memref<1024x1xf32, #tpu.memory_space<vmem>>, vector<1024x1xf32>
    %get3A_5 = arith.constant 0 : index
    %get3A_6 = arith.constant 0 : index
    %get3A_7 = vector.load %arg2[%get3A_5, %get3A_6] : memref<8192x32xf32, #tpu.memory_space<vmem>>, vector<2048x32xf32>
    %get3A_8 = arith.constant 0 : index
    %get3A_9 = arith.constant 0 : index
    %get3A_10 = vector.load %arg4[%get3A_8, %get3A_9] : memref<1x8192xf32, #tpu.memory_space<vmem>>, vector<1x2048xf32>
    %get3A_11 = vector.shape_cast %get3A_10 : vector<1x2048xf32> to vector<2048xf32>
    %dot_general3A = arith.constant dense<0.000000e+00> : vector<1024x2048xf32>
    %dot_general3A_12 = tpu.matmul %get3A_1, %get3A_7, %dot_general3A {dimension_numbers = #tpu.dot_dimension_numbers<[1], [1], [0], [0], [0, 0, 1, 0], [], []>, transpose_lhs_hint = false} : vector<1024x32xf32>, vector<2048x32xf32>, vector<1024x2048xf32> -> vector<1024x2048xf32>
    %broadcast_in_dim3A = vector.shape_cast %get3A_11 : vector<2048xf32> to vector<1x2048xf32>
    %add3A = vector.broadcast %get3A_4 : vector<1024x1xf32> to vector<1024x2048xf32>
    %add3A_13 = vector.broadcast %broadcast_in_dim3A : vector<1x2048xf32> to vector<1024x2048xf32>
    %add3A_14 = arith.addf %add3A, %add3A_13 : vector<1024x2048xf32>
    %mul3A = arith.constant 2.000000e+00 : f32
    %mul3A_15 = vector.broadcast %mul3A : f32 to vector<1024x2048xf32>
    %mul3A_16 = arith.mulf %mul3A_15, %dot_general3A_12 : vector<1024x2048xf32>
    %sub3A = arith.subf %add3A_14, %mul3A_16 : vector<1024x2048xf32>
    %reduce_min3A = arith.constant dense<0x7F800000> : vector<1024xf32>
    %reduce_min3A_17 = vector.multi_reduction <minimumf>, %sub3A, %reduce_min3A [1] : vector<1024x2048xf32> to vector<1024xf32>
    %broadcast_in_dim3A_18 = vector.shape_cast %reduce_min3A_17 : vector<1024xf32> to vector<1024x1xf32>
    %iota3A = tpu.iota {dimensions = array<i32: 1>} : vector<1024x2048xi32>
    %add3A_19 = arith.constant 0 : i32
    %add3A_20 = vector.broadcast %add3A_19 : i32 to vector<1024x2048xi32>
    %add3A_21 = arith.addi %iota3A, %add3A_20 : vector<1024x2048xi32>
    %eq3A = vector.broadcast %broadcast_in_dim3A_18 : vector<1024x1xf32> to vector<1024x2048xf32>
    %eq3A_22 = arith.cmpf oeq, %sub3A, %eq3A : vector<1024x2048xf32>
    %jit3A = arith.constant 1073741824 : i32
    %broadcast_in_dim3A_23 = vector.broadcast %jit3A : i32 to vector<1024x2048xi32>
    %select_n3A = arith.select %eq3A_22, %add3A_21, %broadcast_in_dim3A_23 : vector<1024x2048xi1>, vector<1024x2048xi32>
    %reduce_min3A_24 = arith.constant dense<2147483647> : vector<1024xi32>
    %reduce_min3A_25 = vector.multi_reduction <minsi>, %select_n3A, %reduce_min3A_24 [1] : vector<1024x2048xi32> to vector<1024xi32>
    %broadcast_in_dim3A_26 = vector.shape_cast %reduce_min3A_25 : vector<1024xi32> to vector<1024x1xi32>
    %get3A_27 = arith.constant 2048 : index
    %get3A_28 = arith.constant 0 : index
    %get3A_29 = vector.load %arg2[%get3A_27, %get3A_28] : memref<8192x32xf32, #tpu.memory_space<vmem>>, vector<2048x32xf32>
    %get3A_30 = arith.constant 0 : index
    %get3A_31 = arith.constant 2048 : index
    %get3A_32 = vector.load %arg4[%get3A_30, %get3A_31] : memref<1x8192xf32, #tpu.memory_space<vmem>>, vector<1x2048xf32>
    %get3A_33 = vector.shape_cast %get3A_32 : vector<1x2048xf32> to vector<2048xf32>
    %dot_general3A_34 = arith.constant dense<0.000000e+00> : vector<1024x2048xf32>
    %dot_general3A_35 = tpu.matmul %get3A_1, %get3A_29, %dot_general3A_34 {dimension_numbers = #tpu.dot_dimension_numbers<[1], [1], [0], [0], [0, 0, 1, 0], [], []>, transpose_lhs_hint = false} : vector<1024x32xf32>, vector<2048x32xf32>, vector<1024x2048xf32> -> vector<1024x2048xf32>
    %broadcast_in_dim3A_36 = vector.shape_cast %get3A_33 : vector<2048xf32> to vector<1x2048xf32>
    %add3A_37 = vector.broadcast %get3A_4 : vector<1024x1xf32> to vector<1024x2048xf32>
    %add3A_38 = vector.broadcast %broadcast_in_dim3A_36 : vector<1x2048xf32> to vector<1024x2048xf32>
    %add3A_39 = arith.addf %add3A_37, %add3A_38 : vector<1024x2048xf32>
    %mul3A_40 = arith.constant 2.000000e+00 : f32
    %mul3A_41 = vector.broadcast %mul3A_40 : f32 to vector<1024x2048xf32>
    %mul3A_42 = arith.mulf %mul3A_41, %dot_general3A_35 : vector<1024x2048xf32>
    %sub3A_43 = arith.subf %add3A_39, %mul3A_42 : vector<1024x2048xf32>
    %reduce_min3A_44 = arith.constant dense<0x7F800000> : vector<1024xf32>
    %reduce_min3A_45 = vector.multi_reduction <minimumf>, %sub3A_43, %reduce_min3A_44 [1] : vector<1024x2048xf32> to vector<1024xf32>
    %broadcast_in_dim3A_46 = vector.shape_cast %reduce_min3A_45 : vector<1024xf32> to vector<1024x1xf32>
    %iota3A_47 = tpu.iota {dimensions = array<i32: 1>} : vector<1024x2048xi32>
    %add3A_48 = arith.constant 2048 : i32
    %add3A_49 = vector.broadcast %add3A_48 : i32 to vector<1024x2048xi32>
    %add3A_50 = arith.addi %iota3A_47, %add3A_49 : vector<1024x2048xi32>
    %eq3A_51 = vector.broadcast %broadcast_in_dim3A_46 : vector<1024x1xf32> to vector<1024x2048xf32>
    %eq3A_52 = arith.cmpf oeq, %sub3A_43, %eq3A_51 : vector<1024x2048xf32>
    %jit3A_53 = arith.constant 1073741824 : i32
    %broadcast_in_dim3A_54 = vector.broadcast %jit3A_53 : i32 to vector<1024x2048xi32>
    %select_n3A_55 = arith.select %eq3A_52, %add3A_50, %broadcast_in_dim3A_54 : vector<1024x2048xi1>, vector<1024x2048xi32>
    %reduce_min3A_56 = arith.constant dense<2147483647> : vector<1024xi32>
    %reduce_min3A_57 = vector.multi_reduction <minsi>, %select_n3A_55, %reduce_min3A_56 [1] : vector<1024x2048xi32> to vector<1024xi32>
    %broadcast_in_dim3A_58 = vector.shape_cast %reduce_min3A_57 : vector<1024xi32> to vector<1024x1xi32>
    %get3A_59 = arith.constant 4096 : index
    %get3A_60 = arith.constant 0 : index
    %get3A_61 = vector.load %arg2[%get3A_59, %get3A_60] : memref<8192x32xf32, #tpu.memory_space<vmem>>, vector<2048x32xf32>
    %get3A_62 = arith.constant 0 : index
    %get3A_63 = arith.constant 4096 : index
    %get3A_64 = vector.load %arg4[%get3A_62, %get3A_63] : memref<1x8192xf32, #tpu.memory_space<vmem>>, vector<1x2048xf32>
    %get3A_65 = vector.shape_cast %get3A_64 : vector<1x2048xf32> to vector<2048xf32>
    %dot_general3A_66 = arith.constant dense<0.000000e+00> : vector<1024x2048xf32>
    %dot_general3A_67 = tpu.matmul %get3A_1, %get3A_61, %dot_general3A_66 {dimension_numbers = #tpu.dot_dimension_numbers<[1], [1], [0], [0], [0, 0, 1, 0], [], []>, transpose_lhs_hint = false} : vector<1024x32xf32>, vector<2048x32xf32>, vector<1024x2048xf32> -> vector<1024x2048xf32>
    %broadcast_in_dim3A_68 = vector.shape_cast %get3A_65 : vector<2048xf32> to vector<1x2048xf32>
    %add3A_69 = vector.broadcast %get3A_4 : vector<1024x1xf32> to vector<1024x2048xf32>
    %add3A_70 = vector.broadcast %broadcast_in_dim3A_68 : vector<1x2048xf32> to vector<1024x2048xf32>
    %add3A_71 = arith.addf %add3A_69, %add3A_70 : vector<1024x2048xf32>
    %mul3A_72 = arith.constant 2.000000e+00 : f32
    %mul3A_73 = vector.broadcast %mul3A_72 : f32 to vector<1024x2048xf32>
    %mul3A_74 = arith.mulf %mul3A_73, %dot_general3A_67 : vector<1024x2048xf32>
    %sub3A_75 = arith.subf %add3A_71, %mul3A_74 : vector<1024x2048xf32>
    %reduce_min3A_76 = arith.constant dense<0x7F800000> : vector<1024xf32>
    %reduce_min3A_77 = vector.multi_reduction <minimumf>, %sub3A_75, %reduce_min3A_76 [1] : vector<1024x2048xf32> to vector<1024xf32>
    %broadcast_in_dim3A_78 = vector.shape_cast %reduce_min3A_77 : vector<1024xf32> to vector<1024x1xf32>
    %iota3A_79 = tpu.iota {dimensions = array<i32: 1>} : vector<1024x2048xi32>
    %add3A_80 = arith.constant 4096 : i32
    %add3A_81 = vector.broadcast %add3A_80 : i32 to vector<1024x2048xi32>
    %add3A_82 = arith.addi %iota3A_79, %add3A_81 : vector<1024x2048xi32>
    %eq3A_83 = vector.broadcast %broadcast_in_dim3A_78 : vector<1024x1xf32> to vector<1024x2048xf32>
    %eq3A_84 = arith.cmpf oeq, %sub3A_75, %eq3A_83 : vector<1024x2048xf32>
    %jit3A_85 = arith.constant 1073741824 : i32
    %broadcast_in_dim3A_86 = vector.broadcast %jit3A_85 : i32 to vector<1024x2048xi32>
    %select_n3A_87 = arith.select %eq3A_84, %add3A_82, %broadcast_in_dim3A_86 : vector<1024x2048xi1>, vector<1024x2048xi32>
    %reduce_min3A_88 = arith.constant dense<2147483647> : vector<1024xi32>
    %reduce_min3A_89 = vector.multi_reduction <minsi>, %select_n3A_87, %reduce_min3A_88 [1] : vector<1024x2048xi32> to vector<1024xi32>
    %broadcast_in_dim3A_90 = vector.shape_cast %reduce_min3A_89 : vector<1024xi32> to vector<1024x1xi32>
    %get3A_91 = arith.constant 6144 : index
    %get3A_92 = arith.constant 0 : index
    %get3A_93 = vector.load %arg2[%get3A_91, %get3A_92] : memref<8192x32xf32, #tpu.memory_space<vmem>>, vector<2048x32xf32>
    %get3A_94 = arith.constant 0 : index
    %get3A_95 = arith.constant 6144 : index
    %get3A_96 = vector.load %arg4[%get3A_94, %get3A_95] : memref<1x8192xf32, #tpu.memory_space<vmem>>, vector<1x2048xf32>
    %get3A_97 = vector.shape_cast %get3A_96 : vector<1x2048xf32> to vector<2048xf32>
    %dot_general3A_98 = arith.constant dense<0.000000e+00> : vector<1024x2048xf32>
    %dot_general3A_99 = tpu.matmul %get3A_1, %get3A_93, %dot_general3A_98 {dimension_numbers = #tpu.dot_dimension_numbers<[1], [1], [0], [0], [0, 0, 1, 0], [], []>, transpose_lhs_hint = false} : vector<1024x32xf32>, vector<2048x32xf32>, vector<1024x2048xf32> -> vector<1024x2048xf32>
    %broadcast_in_dim3A_100 = vector.shape_cast %get3A_97 : vector<2048xf32> to vector<1x2048xf32>
    %add3A_101 = vector.broadcast %get3A_4 : vector<1024x1xf32> to vector<1024x2048xf32>
    %add3A_102 = vector.broadcast %broadcast_in_dim3A_100 : vector<1x2048xf32> to vector<1024x2048xf32>
    %add3A_103 = arith.addf %add3A_101, %add3A_102 : vector<1024x2048xf32>
    %mul3A_104 = arith.constant 2.000000e+00 : f32
    %mul3A_105 = vector.broadcast %mul3A_104 : f32 to vector<1024x2048xf32>
    %mul3A_106 = arith.mulf %mul3A_105, %dot_general3A_99 : vector<1024x2048xf32>
    %sub3A_107 = arith.subf %add3A_103, %mul3A_106 : vector<1024x2048xf32>
    %reduce_min3A_108 = arith.constant dense<0x7F800000> : vector<1024xf32>
    %reduce_min3A_109 = vector.multi_reduction <minimumf>, %sub3A_107, %reduce_min3A_108 [1] : vector<1024x2048xf32> to vector<1024xf32>
    %broadcast_in_dim3A_110 = vector.shape_cast %reduce_min3A_109 : vector<1024xf32> to vector<1024x1xf32>
    %iota3A_111 = tpu.iota {dimensions = array<i32: 1>} : vector<1024x2048xi32>
    %add3A_112 = arith.constant 6144 : i32
    %add3A_113 = vector.broadcast %add3A_112 : i32 to vector<1024x2048xi32>
    %add3A_114 = arith.addi %iota3A_111, %add3A_113 : vector<1024x2048xi32>
    %eq3A_115 = vector.broadcast %broadcast_in_dim3A_110 : vector<1024x1xf32> to vector<1024x2048xf32>
    %eq3A_116 = arith.cmpf oeq, %sub3A_107, %eq3A_115 : vector<1024x2048xf32>
    %jit3A_117 = arith.constant 1073741824 : i32
    %broadcast_in_dim3A_118 = vector.broadcast %jit3A_117 : i32 to vector<1024x2048xi32>
    %select_n3A_119 = arith.select %eq3A_116, %add3A_114, %broadcast_in_dim3A_118 : vector<1024x2048xi1>, vector<1024x2048xi32>
    %reduce_min3A_120 = arith.constant dense<2147483647> : vector<1024xi32>
    %reduce_min3A_121 = vector.multi_reduction <minsi>, %select_n3A_119, %reduce_min3A_120 [1] : vector<1024x2048xi32> to vector<1024xi32>
    %broadcast_in_dim3A_122 = vector.shape_cast %reduce_min3A_121 : vector<1024xi32> to vector<1024x1xi32>
    %lt3A = arith.cmpf olt, %broadcast_in_dim3A_46, %broadcast_in_dim3A_18 : vector<1024x1xf32>
    %select_n3A_123 = arith.select %lt3A, %broadcast_in_dim3A_46, %broadcast_in_dim3A_18 : vector<1024x1xi1>, vector<1024x1xf32>
    %select_n3A_124 = arith.select %lt3A, %broadcast_in_dim3A_58, %broadcast_in_dim3A_26 : vector<1024x1xi1>, vector<1024x1xi32>
    %lt3A_125 = arith.cmpf olt, %broadcast_in_dim3A_110, %broadcast_in_dim3A_78 : vector<1024x1xf32>
    %select_n3A_126 = arith.select %lt3A_125, %broadcast_in_dim3A_110, %broadcast_in_dim3A_78 : vector<1024x1xi1>, vector<1024x1xf32>
    %select_n3A_127 = arith.select %lt3A_125, %broadcast_in_dim3A_122, %broadcast_in_dim3A_90 : vector<1024x1xi1>, vector<1024x1xi32>
    %convert_element_type3A = arith.truncf %select_n3A_123 : vector<1024x1xf32> to vector<1024x1xbf16>
    %convert_element_type3A_128 = arith.extf %convert_element_type3A : vector<1024x1xbf16> to vector<1024x1xf32>
    %lt3A_129 = arith.cmpf olt, %select_n3A_126, %convert_element_type3A_128 : vector<1024x1xf32>
    %select_n3A_130 = arith.select %lt3A_129, %select_n3A_127, %select_n3A_124 : vector<1024x1xi1>, vector<1024x1xi32>
    %swap3A = arith.constant 0 : index
    %swap3A_131 = arith.constant 0 : index
    %swap3A_132 = arith.constant 0 : index
    %swap3A_133 = vector.load %arg5[%swap3A, %swap3A_131, %swap3A_132] : memref<1x1024x1xi32, #tpu.memory_space<vmem>>, vector<1x1024x1xi32>
    %swap3A_134 = vector.shape_cast %swap3A_133 : vector<1x1024x1xi32> to vector<1024x1xi32>
    %swap3A_135 = vector.shape_cast %select_n3A_130 : vector<1024x1xi32> to vector<1x1024x1xi32>
    tpu.vector_store %arg5[%swap3A, %swap3A_131, %swap3A_132], %swap3A_135 {strides = array<i32>} : memref<1x1024x1xi32, #tpu.memory_space<vmem>>, vector<1x1024x1xi32>,
    return
  }
  func.func @transform_0(%arg0: i32) -> (i32, i32) {
    %c0_i32 = arith.constant 0 : i32
    %c0_i32_0 = arith.constant 0 : i32
    return %arg0, %c0_i32 : i32, i32
  }
  func.func @transform_1(%arg0: i32) -> (i32, i32) {
    %c0_i32 = arith.constant 0 : i32
    %c0_i32_0 = arith.constant 0 : i32
    %c0_i32_1 = arith.constant 0 : i32
    return %c0_i32, %c0_i32_0 : i32, i32
  }
  func.func @transform_2(%arg0: i32) -> (i32, i32) {
    %c0_i32 = arith.constant 0 : i32
    %c0_i32_0 = arith.constant 0 : i32
    return %arg0, %c0_i32 : i32, i32
  }
  func.func @transform_3(%arg0: i32) -> (i32, i32) {
    %c0_i32 = arith.constant 0 : i32
    %c0_i32_0 = arith.constant 0 : i32
    %c0_i32_1 = arith.constant 0 : i32
    return %c0_i32, %c0_i32_0 : i32, i32
  }
  func.func @transform_4(%arg0: i32) -> (i32, i32, i32) {
    %c0_i32 = arith.constant 0 : i32
    %c0_i32_0 = arith.constant 0 : i32
    %c0_i32_1 = arith.constant 0 : i32
    return %arg0, %c0_i32, %c0_i32_0 : i32, i32, i32
  }
}

module attributes {stable_mosaic.version = 14 : i64} {
  func.func @_fin_body(%arg0: memref<8192x32xf32, #tpu.memory_space<vmem>>, %arg1: memref<8192x128xf32, #tpu.memory_space<vmem>>, %arg2: memref<2x8192xf32, #tpu.memory_space<vmem>>, %arg3: memref<8192x32xf32, #tpu.memory_space<vmem>>, %arg4: memref<1x1xf32, #tpu.memory_space<vmem>>, %arg5: memref<1x1xf32, #tpu.memory_space<vmem>>) attributes {dimension_semantics = [], scalar_prefetch = 0 : i64, scratch_operands = 0 : i64, tpu.core_type = #tpu.core_type<tc>} {
    %get3A = arith.constant 0 : index
    %get3A_0 = arith.constant 0 : index
    %get3A_1 = vector.load %arg0[%get3A, %get3A_0] : memref<8192x32xf32, #tpu.memory_space<vmem>>, vector<8192x32xf32>
    %get3A_2 = arith.constant 0 : index
    %get3A_3 = arith.constant 0 : index
    %get3A_4 = vector.load %arg1[%get3A_2, %get3A_3] : memref<8192x128xf32, #tpu.memory_space<vmem>>, vector<8192x32xf32>
    %sub3A = arith.subf %get3A_4, %get3A_1 : vector<8192x32xf32>
    %add3A = arith.addf %get3A_1, %sub3A : vector<8192x32xf32>
    %swap3A = arith.constant 0 : index
    %swap3A_5 = arith.constant 0 : index
    %swap3A_6 = vector.load %arg3[%swap3A, %swap3A_5] : memref<8192x32xf32, #tpu.memory_space<vmem>>, vector<8192x32xf32>
    tpu.vector_store %arg3[%swap3A, %swap3A_5], %add3A {strides = array<i32>} : memref<8192x32xf32, #tpu.memory_space<vmem>>, vector<8192x32xf32>,
    %mul3A = arith.mulf %sub3A, %sub3A : vector<8192x32xf32>
    %reduce_sum3A = vector.shape_cast %mul3A : vector<8192x32xf32> to vector<1x8192x32xf32>
    %reduce_sum3A_7 = arith.constant dense<0.000000e+00> : vector<1xf32>
    %reduce_sum3A_8 = vector.multi_reduction <add>, %reduce_sum3A, %reduce_sum3A_7 [1, 2] : vector<1x8192x32xf32> to vector<1xf32>
    %reduce_sum3A_9 = vector.shape_cast %reduce_sum3A_8 : vector<1xf32> to vector<1x1x1xf32>
    %reduce_sum3A_10 = vector.extract %reduce_sum3A_9[0, 0, 0] : f32 from vector<1x1x1xf32>
    %mul3A_11 = arith.constant 3.81469727E-6 : f32
    %mul3A_12 = arith.mulf %reduce_sum3A_10, %mul3A_11 : f32
    %mul3A_13 = arith.constant 2.500000e-01 : f32
    %mul3A_14 = arith.mulf %mul3A_13, %mul3A_12 : f32
    %add3A_15 = arith.addf %mul3A_12, %mul3A_14 : f32
    %reshape3A = vector.broadcast %add3A_15 : f32 to vector<1x1xf32>
    %swap3A_16 = arith.constant 0 : index
    %swap3A_17 = arith.constant 0 : index
    %swap3A_18 = vector.load %arg4[%swap3A_16, %swap3A_17] : memref<1x1xf32, #tpu.memory_space<vmem>>, vector<1x1xf32>
    tpu.vector_store %arg4[%swap3A_16, %swap3A_17], %reshape3A {strides = array<i32>} : memref<1x1xf32, #tpu.memory_space<vmem>>, vector<1x1xf32>,
    %get3A_19 = arith.constant 0 : index
    %get3A_20 = arith.constant 0 : index
    %get3A_21 = vector.load %arg2[%get3A_19, %get3A_20] : memref<2x8192xf32, #tpu.memory_space<vmem>>, vector<1x8192xf32>
    %get3A_22 = arith.constant 1 : index
    %get3A_23 = arith.constant 0 : index
    %get3A_24 = vector.load %arg2[%get3A_22, %get3A_23] : memref<2x8192xf32, #tpu.memory_space<vmem>>, vector<1x8192xf32>
    %add3A_25 = arith.addf %get3A_21, %get3A_24 : vector<1x8192xf32>
    %mul3A_26 = arith.constant 1.22070313E-4 : f32
    %mul3A_27 = vector.broadcast %mul3A_26 : f32 to vector<1x8192xf32>
    %mul3A_28 = arith.mulf %add3A_25, %mul3A_27 : vector<1x8192xf32>
    %add3A_29 = arith.constant 1.000000e-10 : f32
    %add3A_30 = vector.broadcast %add3A_29 : f32 to vector<1x8192xf32>
    %add3A_31 = arith.addf %mul3A_28, %add3A_30 : vector<1x8192xf32>
    %log3A = math.log %add3A_31 : vector<1x8192xf32>
    %mul3A_32 = arith.mulf %mul3A_28, %log3A : vector<1x8192xf32>
    %reduce_sum3A_33 = vector.shape_cast %mul3A_32 : vector<1x8192xf32> to vector<1x1x8192xf32>
    %reduce_sum3A_34 = arith.constant dense<0.000000e+00> : vector<1xf32>
    %reduce_sum3A_35 = vector.multi_reduction <add>, %reduce_sum3A_33, %reduce_sum3A_34 [1, 2] : vector<1x1x8192xf32> to vector<1xf32>
    %reduce_sum3A_36 = vector.shape_cast %reduce_sum3A_35 : vector<1xf32> to vector<1x1x1xf32>
    %reduce_sum3A_37 = vector.extract %reduce_sum3A_36[0, 0, 0] : f32 from vector<1x1x1xf32>
    %neg3A = arith.constant 0.000000e+00 : f32
    %neg3A_38 = arith.subf %neg3A, %reduce_sum3A_37 : f32
    %exp3A = math.exp %neg3A_38 : f32
    %reshape3A_39 = vector.broadcast %exp3A : f32 to vector<1x1xf32>
    %swap3A_40 = arith.constant 0 : index
    %swap3A_41 = arith.constant 0 : index
    %swap3A_42 = vector.load %arg5[%swap3A_40, %swap3A_41] : memref<1x1xf32, #tpu.memory_space<vmem>>, vector<1x1xf32>
    tpu.vector_store %arg5[%swap3A_40, %swap3A_41], %reshape3A_39 {strides = array<i32>} : memref<1x1xf32, #tpu.memory_space<vmem>>, vector<1x1xf32>,
    return
  }
}

</mosaic_0001>

<sc_bundles>
// kernel: kernel.5.cloned.1.call-start
scs
__scs_entry_jumppad:
0x0: {  	(pc) =	sbr.rel $0x88, $3  }
0x1: {  	(tag) =	ssettag $0x0;
	lr =	simm.s32 $0x1  }
0x2: {  	[smem:$0x3F9F] =	sst lr;
	_ =	strace $0xD0000000  }
0x3: {  	_ = 	snop  }
0x4: {  	_ = 	snop  }
0x5: {  	_ = 	snop  }
0x6: {  	_ = 	snop  }
0x7: {  	_ = 	snop  }
__scs_overlays_trampoline_lowered:
0x8: {  	[smem:$0x3FAE] =	sst s0  }
0x9: {  	[smem:$0x3FAF] =	sst s1  }
0xa: {  	[smem:$0x3FB0] =	sst s2  }
0xb: {  	[smem:$0x3FB1] =	sst s3  }
0xc: {  	[smem:$0x3FB2] =	sst s4  }
0xd: {  	[smem:$0x3FB3] =	sst s5  }
0xe: {  	[smem:$0x3FB4] =	sst s6  }
0xf: {  	[smem:$0x3FB5] =	sst s7  }
0x10: {  	[smem:$0x3FB6] =	sst s8  }
0x11: {  	[smem:$0x3FB7] =	sst s9;
	s0 =	simm.s32 @!p0 $0x0  }
0x12: {  	s1 =	sld [smem:$0x3F9D];
	s0 =	simm.s32 @p0 $0x1  }
0x13: {  	[smem:$0x3FB8] =	sst s0;
	s0 =	simm.s32 @!p1 $0x0  }
0x14: {  	s2 =	sld [smem:$0x3F9C];
	s0 =	simm.s32 @p1 $0x1  }
0x15: {  	[smem:$0x3FB9] =	sst s0;
	s0 =	simm.s32 @!p2 $0x0  }
0x16: {  	s3 =	sld [smem:$0x3FDB];
	s0 =	simm.s32 @p2 $0x1  }
0x17: {  	s4 =	simm.s32 $0x1BF5;
	[smem:$0x3FBB] =	sst s0  }
0x18: {  	s0 =	sld [smem:$0x3F9E];
	_ =	swait.ge [sflag:s4], $0x0  }
0x19: {  	s7 =	sld [smem:$0x3F9F]  }
0x1a: {  	s8 =	sadd.s32 $0xFFFFE003, lr  }
0x1b: {  	s9 =	sadd.s32 $0xFFFFFEF7, lr;
	s5 =	simm.s32 $0xFFFFFFFF;
	p2 =	slt.u32 s8, $0xFFFFF086  }
0x1c: {  	p1 =	slt.u32 s9, $0xF7A;
	s5 =	simm.s32 @!p2 $0x0  }
0x1d: {  	s5 =	simm.s32 @p1 $0x1;
	p0 =	seq.s32 s7, s2  }
0x1e: {  	s7 =	smul.u32 @!p0 $0xF7A, s2;
	p2 =	seq.s32 @!p0 s5, $0x0  }
0x1f: {  	s9 =	smul.u32 $0xF7A, s1;
	s8 =	simm.s32 @!p0 $0x1BF5;
	p2 =	por !p2, p0  }
0x20: {  	[sflag:s8] =	ssyncset.s32 @!p0 $0xFFFFF086;
	s6 =	sadd.s32 @!p0 s3, s7;
	s7 =	simm.s32 @!p0 $0x108  }
0x21: {  	s3 =	sadd.s32 s3, s9;
	s6 =	sadd.s32 @!p0 $0x88, s6;
	s7 =	simm.s32 @p2 $0x1082  }
0x22: {  	[simem:s7], [sflag:s8] =	dma.local @!p0 [hbm:s6], $0xF7A  }
0x23: {  	s9 =	sor.u32 $0xD0000000, s2;
	s6 =	simm.s32 $0x108;
	_ =	swait.ge @!p0 [sflag:s8], $0x0  }
0x24: {  	s3 =	sadd.s32 $0x88, s3;
	s6 =	simm.s32 @!p1 $0x1082;
	[sflag:s4] =	ssyncset.s32 $0xFFFFF086  }
0x25: {  	[simem:s6], [sflag:s4] =	dma.local [hbm:s3], $0xF7A  }
0x26: {  	[smem:$0x3F9F] =	sst s1;
	(tag) =	ssettag s2;
	_ =	strace s9  }
0x27: {  	s1 =	sld [smem:$0x3FAF]  }
0x28: {  	s2 =	sld [smem:$0x3FB0]  }
0x29: {  	s4 =	sld [smem:$0x3FB2]  }
0x2a: {  	p0 =	seq.s32 s5, $0x0;
	s5 =	sld [smem:$0x3FB3]  }
0x2b: {  	s6 =	sld [smem:$0x3FB4]  }
0x2c: {  	s7 =	sld [smem:$0x3FB5]  }
0x2d: {  	s3 =	simm.s32 $0x108;
	s8 =	sld [smem:$0x3FB6]  }
0x2e: {  	s3 =	simm.s32 @!p0 $0x1082;
	s9 =	sld [smem:$0x3FB7]  }
0x2f: {  	lr =	sadd.s32 s0, s3;
	s0 =	sld [smem:$0x3FAE]  }
0x30: {  	s3 =	sld [smem:$0x3FB1]  }
0x31: {  	[smem:$0x3FBA] =	sst s10  }
0x32: {  	s10 =	sld [smem:$0x3FB8];
	_ =	sdelay $0x3  }
0x33: {  	p0 =	seq.s32 s10, $0x1;
	s10 =	sld [smem:$0x3FBA];
	_ =	sdelay $0x3  }
0x34: {  	[smem:$0x3FBA] =	sst s10  }
0x35: {  	s10 =	sld [smem:$0x3FB9];
	_ =	sdelay $0x3  }
0x36: {  	p1 =	seq.s32 s10, $0x1;
	s10 =	sld [smem:$0x3FBA];
	_ =	sdelay $0x3  }
0x37: {  	[smem:$0x3FBA] =	sst s10  }
0x38: {  	s10 =	sld [smem:$0x3FBB]  }
0x39: {  	_ = 	snop;
	(pc) =	sbr.ind lr, $3  }
0x3a: {  	_ = 	snop  }
0x3b: {  	_ = 	snop  }
0x3c: {  	p2 =	seq.s32 s10, $0x1;
	s10 =	sld [smem:$0x3FBA]  }
0x3d: {  	_ =	shalt  }
0x3e: {  	_ =	shalt  }
0x3f: {  	_ =	shalt  }
0x40: {  	_ =	shalt  }
0x41: {  	_ =	shalt  }
0x42: {  	_ =	shalt  }
0x43: {  	_ =	shalt  }
0x44: {  	_ =	shalt  }
0x45: {  	_ =	shalt  }
0x46: {  	_ =	shalt  }
0x47: {  	_ =	shalt  }
0x48: {  	_ =	shalt  }
0x49: {  	_ =	shalt  }
0x4a: {  	_ =	shalt  }
0x4b: {  	_ =	shalt  }
0x4c: {  	_ =	shalt  }
0x4d: {  	_ =	shalt  }
0x4e: {  	_ =	shalt  }
0x4f: {  	_ =	shalt  }
0x50: {  	_ =	shalt  }
0x51: {  	_ =	shalt  }
0x52: {  	_ =	shalt  }
0x53: {  	_ =	shalt  }
0x54: {  	_ =	shalt  }
0x55: {  	_ =	shalt  }
0x56: {  	_ =	shalt  }
0x57: {  	_ =	shalt  }
0x58: {  	_ =	shalt  }
0x59: {  	_ =	shalt  }
0x5a: {  	_ =	shalt  }
0x5b: {  	_ =	shalt  }
0x5c: {  	_ =	shalt  }
0x5d: {  	_ =	shalt  }
0x5e: {  	_ =	shalt  }
0x5f: {  	_ =	shalt  }
0x60: {  	_ =	shalt  }
0x61: {  	_ =	shalt  }
0x62: {  	_ =	shalt  }
0x63: {  	_ =	shalt  }
0x64: {  	_ =	shalt  }
0x65: {  	_ =	shalt  }
0x66: {  	_ =	shalt  }
0x67: {  	_ =	shalt  }
0x68: {  	_ =	shalt  }
0x69: {  	_ =	shalt  }
0x6a: {  	_ =	shalt  }
0x6b: {  	_ =	shalt  }
0x6c: {  	_ =	shalt  }
0x6d: {  	_ =	shalt  }
0x6e: {  	_ =	shalt  }
0x6f: {  	_ =	shalt  }
0x70: {  	_ =	shalt  }
0x71: {  	_ =	shalt  }
0x72: {  	_ =	shalt  }
0x73: {  	_ =	shalt  }
0x74: {  	_ =	shalt  }
0x75: {  	_ =	shalt  }
0x76: {  	_ =	shalt  }
0x77: {  	_ =	shalt  }
0x78: {  	_ =	shalt  }
0x79: {  	_ =	shalt  }
0x7a: {  	_ =	shalt  }
0x7b: {  	_ =	shalt  }
0x7c: {  	_ =	shalt  }
0x7d: {  	_ =	shalt  }
0x7e: {  	_ =	shalt  }
0x7f: {  	_ =	shalt  }
0x80: {  	_ =	shalt  }
0x81: {  	_ =	shalt  }
0x82: {  	_ =	shalt  }
0x83: {  	_ =	shalt  }
0x84: {  	_ =	shalt  }
0x85: {  	_ =	shalt  }
0x86: {  	_ =	shalt  }
0x87: {  	_ =	shalt  }
.Lfunc_end0:
.L_simem_size_0:
called_computation_lowered:
.L_overlay_start_0:
0x88: {  	s2 =	sld [smem:$0x3FD9]  }
0x89: {  	s3 =	sld [smem:$0x3FFE];
	_ =	sdelay $0x1  }
0x8a: {  	s1 =	srdreg.scid  }
0x8b: {  	s0 =	sand.u32 $0x1, s1  }
0x8c: {  	s14 =	sshll.u32 s0, $0xA;
	s2 =	sadd.s32 s3, s2  }
0x8d: {  	s2 =	sadd.s32 s2, s14  }
0x8e: {  	[smem:$0x3FC6] =	sst s2  }
0x8f: {  	_ = 	snop  }
0x90: {  	s2 =	sld [smem:$0x3FD0];
	_ =	sdelay $0x2  }
0x91: {  	s15 =	simm.s32 $0xA;
	s4 =	simm.s32 $0x10  }
0x92: {  	[smem:s4], [sflag:s15] =	dma.local [hbm:s2], $0x1  }
0x93: {  	_ =	swait.eq [sflag:s15], $0x1  }
0x94: {  	[sflag:s15] =	ssyncset.done $0x0  }
0x95: {  	[sflag:s15] =	ssyncadd.s32 $0xFFFFFFFF  }
0x96: {  	s16 =	sld [smem:$0x10];
	(tm) =	ssettm $0x1  }
0x97: {  	s17 =	sld [smem:$0x3FFB];
	_ =	sdelay $0x3  }
0x98: {  	_ =	strace s17  }
0x99: {  	s3 =	sld [smem:$0x3FFC];
	_ =	sdelay $0x3  }
0x9a: {  	_ =	strace s3  }
0x9b: {  	s3 =	sld [smem:$0x3FFD];
	_ =	sdelay $0x3  }
0x9c: {  	_ =	strace s3  }
0x9d: {  	_ =	strace $0x8FFFFFFF  }
0x9e: {  	s18 =	sld [smem:$0x3FDB];
	_ =	sdelay $0x1  }
0x9f: {  	s19 =	simm.s32 $_scs_section_size  }
0xa0: {  	s5 =	simm.s32 $_size__tile_overlayer_lowered;
	s6 =	simm.s32 $_tile_overlayer_lowered  }
0xa1: {  	s22 =	simm.s32 $0x1BFF;
	s21 =	sshll.u32 s6, $0x1;
	s3 =	sadd.s32 s19, s18  }
0xa2: {  	s7 =	simm.s32 $0x0;
	s20 =	sshll.u32 s5, $0x1;
	s5 =	sadd.s32 s21, s3  }
0xa3: {  	[timem:s7], [sflag:s22] =	dma.local [hbm:s5], s20  }
0xa4: {  	_ =	swait.ge [sflag:s22], s20  }
0xa5: {  	s4 =	ssub.s32 $0x0, s20;
	[sflag:s22] =	ssyncset.done $0x0  }
0xa6: {  	[sflag:s22] =	ssyncadd.s32 s4;
	_ =	sdelay $0x1  }
0xa7: {  	s23 =	simm.s32 $0x1B8B  }
0xa8: {  	_ =	swait.ge [sflag:s23], $0x1  }
0xa9: {  	[sflag:s23] =	ssyncset.done $0x0  }
0xaa: {  	s25 =	simm.s32 $0x1B8E;
	s24 =	sld [smem:$0x3FFE];
	[sflag:s23] =	ssyncadd.s32 $0xFFFFFFFF  }
0xab: {  	s26 =	simm.s32 $execute0_lowered;
	[smem:$0x3FD2] =	sst s25  }
0xac: {  	s5 =	sshll.u32 s26, $0x1;
	_ =	strace $0x80000046;
	[dreg:$0x1] =	wrdreg $0xFFFFFFFF  }
0xad: {  	s28 =	simm.s32 $_size_execute0_lowered;
	s3 =	sadd.s32 s3, s5;
	[dreg:$0x0] =	wrdreg $0x0  }
0xae: {  	s5 =	sshll.u32 s28, $0x1;
	[dreg:$0x2] =	wrdreg s3  }
0xaf: {  	[dreg:$0x3] =	wrdreg s5  }
0xb0: {  	[dreg:$0x4] =	wrdreg $0xC0  }
0xb1: {  	_ =	task [dreg:s7], $0x5FFFF  }
0xb2: {  	[dreg:$0x1] =	wrdreg $0xFFFFFFFF  }
0xb3: {  	[dreg:$0x0] =	wrdreg $0x60  }
0xb4: {  	[dreg:$0x2] =	wrdreg s24  }
0xb5: {  	[dreg:$0x3] =	wrdreg s16  }
0xb6: {  	[dreg:$0x4] =	wrdreg $0x83800  }
0xb7: {  	[dreg:$0x5] =	wrdreg $0x9  }
0xb8: {  	_ =	task.clear_ibuf [dreg:s7], $0x6FFFF;
	_ =	strace $0x90000046  }
0xb9: {  	s29 =	simm.s32 $0x9;
	_ =	strace $0x80000048  }
0xba: {  	_ =	swait.ge [sflag:s29], $0x1  }
0xbb: {  	[sflag:s29] =	ssyncadd.s32 $0xFFFFFFFF  }
0xbc: {  	_ =	strace $0x90000048  }
0xbd: {  	_ =	sfence  }
0xbe: {  	s30 =	sld [smem:$0x0];
	_ =	sdelay $0x2  }
0xbf: {  	s31 =	sshll.u32 s1, $0xD;
	s1 =	sshrl.u32 s1, $0x2  }
0xc0: {  	s3 =	sand.u32 $0x4000, s31;
	s1 =	sadd.s32 s1, s30  }
0xc1: {  	s0 =	sor.u32 s3, s0;
	s1 =	sshll.u32 s1, $0x11  }
0xc2: {  	s0 =	sor.u32 s1, s0  }
0xc3: {  	s0 =	sadd.s32 $0x8F2B, s0  }
0xc4: {  	[sflag:s0] =	ssyncadd.remote.s32 $0x1  }
0xc5: {  	_ =	sfence.sel $0xFFFF  }
0xc6: {  	[dreg:$0x0] =	wrdreg $0xFFFFFFFF;
	(pc) =	sbr.abs _section_cstart, $3  }
0xc7: {  	[dreg:$0x1] =	wrdreg $0xFFFFFFFF  }
0xc8: {  	_ =	task.clear_ibuf [dreg:s7], $0x2FFFF;
	_ =	strace $0x9FFFFFFF  }
0xc9: {  	(tm) =	ssettm $0x7FFFFFFF  }
tec
execute0_lowered:
.L_overlay_start_1:
0x0: {  	(tag) =	ssettag $0x1  }
0x1: {  	s9 =	rddreg [dreg:$0x0]  }
0x2: {  	s0 =	srdreg.scid;
	s11 =	stileid.u32  }
0x3: {  	s14 =	rddreg [dreg:$0x1];
	s15 =	sand.u32 $0x1, s0;
	s29 =	sshll.u32 s11, $0x1  }
0x4: {  	s1 =	rddreg [dreg:$0x2];
	s12 =	sor.u32 s15, s29  }
0x5: {  	s3 =	simm.s32 $0x0;
	s0 =	rddreg [dreg:$0x3];
	s2 =	sshll.u32 s12, $0x5  }
0x6: {  	[smem:$0x7FF] =	sst s3;
	s2 =	sadd.s32 s2, s9  }
0x7: {  	_ =	strace $0x80000047;
	s5 =	sadd.s32 $0x200, s2;
	s2 =	simm.s32 $0x2  }
0x8: {  	[tilespmem:s3], [sflag:$0x2] =	stream.linear.gather [hbm4b:s5+s3], $0x100, $0x38;
	[tilespmem:$0x8580] =	vst v63  }
0x9: {  	_ =	swait.ge [sflag:s2], $0x100  }
0xa: {  	s4 =	simm.s32 $0x80;
	s7 =	simm.s32 $0x100;
	[sflag:s2] =	ssyncset.done $0x0  }
0xb: {  	s8 =	simm.s32 $0x1;
	s6 =	sadd.s32 $0x600, s9;
	[sflag:s2] =	ssyncadd.s32 $0xFFFFFF00  }
0xc: {  	[tilespmem:s7], [sflag:$0x1] =	stream.indirect.gather [hbm4b:s6+s4], $0x80, s3, s4, $0xb8;
	[tilespmem:$0x8580] =	vst v63  }
0xd: {  	_ =	swait.ge [sflag:s8], $0x4000  }
0xe: {  	[sflag:s8] =	ssyncset.done $0x0  }
0xf: {  	s10 =	simm.s32 $0x4100;
	[sflag:s8] =	ssyncadd.s32 $0xFFFFC000  }
0x10: {  	[tilespmem:s10], [sflag:$0x1] =	stream.indirect.gather [hbm4b:s6+s4], $0x80, s4, s4, $0xb8;
	[tilespmem:$0x8580] =	vst v63  }
0x11: {  	s12 =	sshll.u32 s12, $0xC;
	_ =	swait.ge [sflag:s8], $0x4000  }
0x12: {  	s9 =	sadd.s32 s12, s9;
	[sflag:s8] =	ssyncset.done $0x0  }
0x13: {  	s12 =	sadd.s32 $0x20600, s9;
	[sflag:s8] =	ssyncadd.s32 $0xFFFFC000  }
0x14: {  	[hbm4b:s12+s3] =	stream.linear.scatter [tilespmem:s7], [sflag:$0x2], $0x8000, $0x38;
	[tilespmem:$0x8580] =	vst v63  }
0x15: {  	_ =	swait.ge [sflag:s2], $0x8000  }
0x16: {  	[sflag:s2] =	ssyncset.done $0x0  }
0x17: {  	v0 =	vimm.f32 $0.0e+00;
	[sflag:s2] =	ssyncadd.s32 $0xFFFF8000  }
0x18: {  	[tilespmem:$0x8370] =	vst v0  }
0x19: {  	[tilespmem:$0x8360] =	vst v0  }
0x1a: {  	[tilespmem:$0x8350] =	vst v0  }
0x1b: {  	[tilespmem:$0x8340] =	vst v0  }
0x1c: {  	[tilespmem:$0x8330] =	vst v0  }
0x1d: {  	[tilespmem:$0x8320] =	vst v0  }
0x1e: {  	[tilespmem:$0x8310] =	vst v0  }
0x1f: {  	s30 =	ssub.s32 $0x2, s15;
	[tilespmem:$0x8300] =	vst v0  }
0x20: {  	s13 =	sshrl.u32 s30, $0x1;
	[tilespmem:$0x82F0] =	vst v0  }
0x21: {  	s9 =	ssub.s32 s30, s13;
	[tilespmem:$0x82E0] =	vst v0  }
0x22: {  	s9 =	smax.u32 s9, $0x1;
	[tilespmem:$0x82D0] =	vst v0  }
0x23: {  	s16 =	sadd.s32 $0xFFFFFFFF, s9;
	[tilespmem:$0x82C0] =	vst v0  }
0x24: {  	p1 =	sne.s32 s16, $0x0;
	[tilespmem:$0x82B0] =	vst v0  }
.Ltmp0:
0x25: {  	[tilespmem:$0x82A0] =	vst v0;
	(pc) =	sbr.rel @!p1 .LBB2_2-.Ltmp0, $4  }
0x26: {  	[tilespmem:$0x8290] =	vst v0  }
0x27: {  	s31 =	sshll.u32 s11, $0x9;
	p0 =	sne.s32 s11, $0x0;
	[tilespmem:$0x8280] =	vst v0  }
0x28: {  	s15 =	sshll.u32 s15, $0x4;
	s11 =	sshrl.u32 @!p0 s1, $0x3;
	s13 =	sadd.s32 s31, s1;
	[tilespmem:$0x8270] =	vst v0  }
0x29: {  	v1 =	vimm.f32 $1.000000000e+00;
	s9 =	sadd.s32 s14, s15;
	s15 =	simm.s32 $0x8180;
	s14 =	simm.s32 $0x8100;
	[tilespmem:$0x8260] =	vst v0  }
.LBB2_1:
0x2a: {  	s16 =	sadd.s32 $0xFFFFFFFF, s16;
	[tilespmem:$0x8250] =	vst v0  }
0x2b: {  	p1 =	sne.s32 s16, $0x0;
	[tilespmem:$0x8240] =	vst v0  }
0x2c: {  	[tilespmem:$0x8230] =	vst v0  }
0x2d: {  	[tilespmem:$0x8220] =	vst v0  }
0x2e: {  	[tilespmem:$0x8210] =	vst v0  }
0x2f: {  	[tilespmem:$0x8200] =	vst v0  }
0x30: {  	[tilespmem:$0x81F0] =	vst v0  }
0x31: {  	[tilespmem:$0x81E0] =	vst v0  }
0x32: {  	[tilespmem:$0x81D0] =	vst v0  }
0x33: {  	[tilespmem:$0x81C0] =	vst v0  }
0x34: {  	[tilespmem:$0x81B0] =	vst v0  }
0x35: {  	[tilespmem:$0x81A0] =	vst v0  }
0x36: {  	[tilespmem:$0x8190] =	vst v0  }
0x37: {  	[tilespmem:$0x8180] =	vst v0  }
0x38: {  	[tilespmem:$0x8170] =	vst v1  }
0x39: {  	[tilespmem:$0x8160] =	vst v1  }
0x3a: {  	[tilespmem:$0x8150] =	vst v1  }
0x3b: {  	[tilespmem:$0x8140] =	vst v1  }
0x3c: {  	[tilespmem:$0x8130] =	vst v1  }
0x3d: {  	[tilespmem:$0x8120] =	vst v1  }
0x3e: {  	[tilespmem:$0x8100] =	vst v1  }
0x3f: {  	[tilespmem:$0x8110] =	vst v1  }
0x40: {  	[spmem:s13] =	stream.linear.scatter [tilespmem:s15], [sflag:$0x2], $0x200, $0x38;
	[tilespmem:$0x8580] =	vst v63  }
0x41: {  	_ =	swait.ge [sflag:s2], $0x200  }
0x42: {  	[sflag:s2] =	ssyncset.done $0x0  }
0x43: {  	[sflag:s2] =	ssyncadd.s32 $0xFFFFFE00  }
0x44: {  	[bflag:$0x0] =	sbarrier.arrive $0xFFFF  }
0x45: {  	[spmem:s1] =	stream.indirect.scatter.add.f32 [tilespmem:s14], [sflag:$0x2], $0x1, s3, s4, $0xb8;
	[tilespmem:$0x8580] =	vst v63  }
0x46: {  	_ =	swait.ge [sflag:s2], $0x80  }
0x47: {  	[sflag:s2] =	ssyncset.done $0x0  }
0x48: {  	[sflag:s2] =	ssyncadd.s32 $0xFFFFFF80  }
0x49: {  	[spmem:s1] =	stream.indirect.scatter.add.f32 [tilespmem:s14], [sflag:$0x2], $0x1, s4, s4, $0xb8;
	[tilespmem:$0x8580] =	vst v63  }
0x4a: {  	_ =	swait.ge [sflag:s2], $0x80  }
0x4b: {  	s17 =	simm.s32 @!p0 $0x10;
	s18 =	simm.s32 @!p0 $0x1C02;
	[sflag:s2] =	ssyncset.done $0x0  }
0x4c: {  	s19 =	simm.s32 @!p0 $0x1;
	s20 =	simm.s32 @!p0 $0x20;
	[sflag:s2] =	ssyncadd.s32 $0xFFFFFF80  }
0x4d: {  	s21 =	simm.s32 @!p0 $0x2;
	[bflag:$0x0] =	sbarrier.arrive $0xFFFF  }
0x4e: {  	[hbm:s9@s20], [sflag:s18] =	dma.strided @!p0 [spmem:s11@s17], $0x400, s19, $0x10   }
0x4f: {  	_ =	swait.ge @!p0 [sflag:s21], $0x400  }
0x50: {  	[sflag:s21] =	ssyncset.done @!p0 $0x0  }
0x51: {  	[sflag:s21] =	ssyncadd.s32 @!p0 $0xFFFFFC00  }
0x52: {  	[tilespmem:s3], [sflag:$0x2] =	stream.linear.gather [hbm4b:s5+s3], $0x100, $0x38;
	[tilespmem:$0x8580] =	vst v63  }
0x53: {  	_ =	swait.ge [sflag:s2], $0x100  }
0x54: {  	[sflag:s2] =	ssyncset.done $0x0  }
0x55: {  	[sflag:s2] =	ssyncadd.s32 $0xFFFFFF00  }
0x56: {  	[tilespmem:s7], [sflag:$0x1] =	stream.indirect.gather [hbm4b:s6+s4], $0x80, s3, s4, $0xb8;
	[tilespmem:$0x8580] =	vst v63  }
0x57: {  	_ =	swait.ge [sflag:s8], $0x4000  }
0x58: {  	[sflag:s8] =	ssyncset.done $0x0  }
0x59: {  	[sflag:s8] =	ssyncadd.s32 $0xFFFFC000  }
0x5a: {  	[tilespmem:s10], [sflag:$0x1] =	stream.indirect.gather [hbm4b:s6+s4], $0x80, s4, s4, $0xb8;
	[tilespmem:$0x8580] =	vst v63  }
0x5b: {  	_ =	swait.ge [sflag:s8], $0x4000  }
0x5c: {  	[sflag:s8] =	ssyncset.done $0x0  }
0x5d: {  	[sflag:s8] =	ssyncadd.s32 $0xFFFFC000  }
0x5e: {  	[hbm4b:s12+s3] =	stream.linear.scatter [tilespmem:s7], [sflag:$0x2], $0x8000, $0x38;
	[tilespmem:$0x8580] =	vst v63  }
0x5f: {  	_ =	swait.ge [sflag:s2], $0x8000  }
0x60: {  	[sflag:s2] =	ssyncset.done $0x0  }
0x61: {  	[sflag:s2] =	ssyncadd.s32 $0xFFFF8000  }
0x62: {  	[tilespmem:$0x8370] =	vst v0  }
0x63: {  	[tilespmem:$0x8360] =	vst v0  }
0x64: {  	[tilespmem:$0x8350] =	vst v0  }
0x65: {  	[tilespmem:$0x8340] =	vst v0  }
0x66: {  	[tilespmem:$0x8330] =	vst v0  }
0x67: {  	[tilespmem:$0x8320] =	vst v0  }
0x68: {  	[tilespmem:$0x8310] =	vst v0  }
0x69: {  	[tilespmem:$0x8300] =	vst v0  }
0x6a: {  	[tilespmem:$0x82F0] =	vst v0  }
0x6b: {  	[tilespmem:$0x82E0] =	vst v0  }
0x6c: {  	[tilespmem:$0x82D0] =	vst v0  }
0x6d: {  	[tilespmem:$0x82C0] =	vst v0  }
0x6e: {  	[tilespmem:$0x82B0] =	vst v0  }
.Ltmp1:
0x6f: {  	[tilespmem:$0x82A0] =	vst v0;
	(pc) =	sbr.rel @p1 .LBB2_1-.Ltmp1, $4  }
0x70: {  	[tilespmem:$0x8290] =	vst v0  }
0x71: {  	[tilespmem:$0x8280] =	vst v0  }
0x72: {  	[tilespmem:$0x8270] =	vst v0  }
0x73: {  	[tilespmem:$0x8260] =	vst v0  }
.LBB2_2:
0x74: {  	[tilespmem:$0x8250] =	vst v0  }
0x75: {  	[tilespmem:$0x8240] =	vst v0  }
0x76: {  	[tilespmem:$0x8230] =	vst v0  }
0x77: {  	[tilespmem:$0x8220] =	vst v0  }
0x78: {  	[tilespmem:$0x8210] =	vst v0  }
0x79: {  	[tilespmem:$0x8200] =	vst v0  }
0x7a: {  	[tilespmem:$0x81F0] =	vst v0  }
0x7b: {  	[tilespmem:$0x81E0] =	vst v0  }
0x7c: {  	[tilespmem:$0x81D0] =	vst v0  }
0x7d: {  	[tilespmem:$0x81C0] =	vst v0  }
0x7e: {  	[tilespmem:$0x81B0] =	vst v0  }
0x7f: {  	[tilespmem:$0x81A0] =	vst v0  }
0x80: {  	[tilespmem:$0x8190] =	vst v0  }
0x81: {  	[tilespmem:$0x8180] =	vst v0  }
0x82: {  	[tilespmem:$0x8170] =	vst v1  }
0x83: {  	[tilespmem:$0x8160] =	vst v1  }
0x84: {  	[tilespmem:$0x8150] =	vst v1  }
0x85: {  	[tilespmem:$0x8140] =	vst v1  }
0x86: {  	[tilespmem:$0x8130] =	vst v1  }
0x87: {  	[tilespmem:$0x8120] =	vst v1  }
0x88: {  	[tilespmem:$0x8100] =	vst v1  }
0x89: {  	[tilespmem:$0x8110] =	vst v1  }
0x8a: {  	[spmem:s13] =	stream.linear.scatter [tilespmem:s15], [sflag:$0x2], $0x200, $0x38;
	[tilespmem:$0x8580] =	vst v63  }
0x8b: {  	_ =	swait.ge [sflag:s2], $0x200  }
0x8c: {  	[sflag:s2] =	ssyncset.done $0x0  }
0x8d: {  	[sflag:s2] =	ssyncadd.s32 $0xFFFFFE00  }
0x8e: {  	[bflag:$0x0] =	sbarrier.arrive $0xFFFF  }
0x8f: {  	[spmem:s1] =	stream.indirect.scatter.add.f32 [tilespmem:s14], [sflag:$0x2], $0x1, s3, s4, $0xb8;
	[tilespmem:$0x8580] =	vst v63  }
0x90: {  	_ =	swait.ge [sflag:s2], $0x80  }
0x91: {  	[sflag:s2] =	ssyncset.done $0x0  }
0x92: {  	[sflag:s2] =	ssyncadd.s32 $0xFFFFFF80  }
0x93: {  	[spmem:s1] =	stream.indirect.scatter.add.f32 [tilespmem:s14], [sflag:$0x2], $0x1, s4, s4, $0xb8;
	[tilespmem:$0x8580] =	vst v63  }
0x94: {  	_ =	swait.ge [sflag:s2], $0x80  }
0x95: {  	s5 =	simm.s32 @!p0 $0x2;
	[sflag:s2] =	ssyncset.done $0x0  }
0x96: {  	s3 =	simm.s32 @!p0 $0x1C02;
	s1 =	simm.s32 @!p0 $0x10;
	[sflag:s2] =	ssyncadd.s32 $0xFFFFFF80  }
0x97: {  	s4 =	simm.s32 @!p0 $0x20;
	s2 =	simm.s32 @!p0 $0x1;
	[bflag:$0x0] =	sbarrier.arrive $0xFFFF  }
0x98: {  	[hbm:s9@s4], [sflag:s3] =	dma.strided @!p0 [spmem:s11@s1], $0x400, s2, $0x10   }
0x99: {  	_ =	swait.ge @!p0 [sflag:s5], $0x400  }
0x9a: {  	[sflag:s5] =	ssyncset.done @!p0 $0x0  }
0x9b: {  	[sflag:s5] =	ssyncadd.s32 @!p0 $0xFFFFFC00  }
0x9c: {  	_ =	sfence.sel $0x180000  }
0x9d: {  	[bflag:$0x0] =	sbarrier.arrive $0xFFFF  }
0x9e: {  	_ =	strace $0x90000047  }
0x9f: {  	s0 =	sadd.s32 @!p0 $0x100000, s0;
	[bflag:$0x2] =	sbarrier.arrive $0xFFFF  }
0xa0: {  	[sflag:s0] =	ssyncadd.tile.s32 @!p0 $0x1;
	_ =	shalt  }
.Lfunc_end2:
_tile_overlayer_lowered:
.L_overlay_start_2:
0xa1: {  	(tag) =	ssettag $0x2  }
0xa2: {  	s0 =	rddreg [dreg:$0x0];
	s2 =	stileid.u32  }
0xa3: {  	s1 =	rddreg [dreg:$0x1];
	p0 =	sne.s32 s2, $0x0  }
0xa4: {  	s3 =	rddreg [dreg:$0x2];
	[bflag:$0x3] =	sbarrier.arrive $0xFFFF;
	s2 =	simm.s32 @!p0 $0x1C02  }
0xa5: {  	[timem:s3], [sflag:s2] =	dma.local @!p0 [hbm:s0], s1  }
0xa6: {  	s0 =	simm.s32 @!p0 $0x2  }
0xa7: {  	_ =	swait.ge @!p0 [sflag:s0], s1  }
0xa8: {  	s1 =	ssub.s32 @!p0 $0x0, s1;
	[sflag:s0] =	ssyncset.done @!p0 $0x0  }
0xa9: {  	[sflag:s0] =	ssyncadd.s32 @!p0 s1  }
0xaa: {  	[bflag:$0x3] =	sbarrier.arrive $0xFFFF  }
0xab: {  	_ =	shalt  }

</sc_bundles>
